<compile_context>
chip_gen: v7x
topology: tpu7x:2x2x1
jax: 0.10.2.dev20260603
libtpu: 0.0.44.dev20260713+nightly
codegen_flags: <defaults>
</compile_context>

<pallas_src>
import functools

import jax
import jax.numpy as jnp
from jax import lax
from jax.experimental import pallas as pl
from jax.experimental.pallas import tpu as pltpu
from jax.experimental.pallas import tpu_sc as plsc

N = 20000
K = 27
C = 128
H = 8
A = 16
M = N * K
EPS = 1e-5

NPH = 2
QPH = N // NPH
MPH = QPH * K

NW = 32
ROWS_PER_W = 8480
M2 = NW * ROWS_PER_W
CH = 40
NCHUNK = ROWS_PER_W // CH
NBUF = 4
NGRP = NCHUNK // NBUF

BQ = 200
RB = BQ * K
GB = QPH // BQ

BN_ROWS = 2000
GN = N // BN_ROWS


def _proj_body(x_ref, w_ref, b_ref, q_ref, kv_ref):
    o = jnp.dot(x_ref[...], w_ref[...], preferred_element_type=jnp.float32)
    o = o + b_ref[...]
    q_ref[...] = o[:, :C]
    k32 = o[:, C:2 * C].astype(jnp.bfloat16).astype(jnp.float32)
    v32 = o[:, 2 * C:].astype(jnp.bfloat16).astype(jnp.float32)
    ki = lax.shift_right_logical(lax.bitcast_convert_type(k32, jnp.int32), 16)
    vi = lax.bitcast_convert_type(v32, jnp.int32) & jnp.int32(-65536)
    kv_ref[...] = vi | ki


def _proj(x, w_all, b_all):
    return pl.pallas_call(
        _proj_body,
        grid=(GN,),
        in_specs=[
            pl.BlockSpec((BN_ROWS, C), lambda i: (i, 0)),
            pl.BlockSpec((C, 3 * C), lambda i: (0, 0)),
            pl.BlockSpec((1, 3 * C), lambda i: (0, 0)),
        ],
        out_specs=[
            pl.BlockSpec((BN_ROWS, C), lambda i: (i, 0)),
            pl.BlockSpec((BN_ROWS, C), lambda i: (i, 0)),
        ],
        out_shape=[
            jax.ShapeDtypeStruct((N, C), jnp.float32),
            jax.ShapeDtypeStruct((N, C), jnp.int32),
        ],
    )(x, w_all, b_all)


def _rel_body(rp_ref, w1_ref, b1_ref, w2_ref, b2_ref, r_ref):
    h1 = jnp.dot(rp_ref[...], w1_ref[...], preferred_element_type=jnp.float32)
    h1 = jnp.maximum(h1 + b1_ref[...], 0.0)
    r_ref[...] = jnp.dot(h1, w2_ref[...], preferred_element_type=jnp.float32) + b2_ref[...]


def _rel(rp, w1, b1, w2, b2):
    return pl.pallas_call(
        _rel_body,
        out_shape=jax.ShapeDtypeStruct((32, C), jnp.float32),
    )(rp, w1, b1, w2, b2)


def _sc_gather(kv, idx):
    mesh = plsc.VectorSubcoreMesh(core_axis_name="c", subcore_axis_name="s")

    @functools.partial(
        pl.kernel,
        out_type=jax.ShapeDtypeStruct((M2, C), jnp.int32),
        mesh=mesh,
        scratch_types=[
            pltpu.VMEM((ROWS_PER_W,), jnp.int32),
        ]
        + [pltpu.VMEM((CH, C), jnp.int32) for _ in range(NBUF)]
        + [pltpu.SemaphoreType.DMA for _ in range(2 * NBUF)],
    )
    def gk(kv_hbm, idx_hbm, out_hbm, idx_v, *bufs_sems):
        bufs = bufs_sems[:NBUF]
        sem_g = bufs_sems[NBUF:2 * NBUF]
        sem_w = bufs_sems[2 * NBUF:]
        wid = lax.axis_index("s") * 2 + lax.axis_index("c")
        base = wid * ROWS_PER_W
        pltpu.sync_copy(idx_hbm.at[pl.ds(base, ROWS_PER_W)], idx_v)

        def gather(c, b):
            return pltpu.make_async_copy(
                kv_hbm.at[idx_v.at[pl.ds(c * CH, CH)]], bufs[b], sem_g[b])

        def writeback(c, b):
            return pltpu.make_async_copy(
                bufs[b], out_hbm.at[pl.ds(base + c * CH, CH)], sem_w[b])

        def body(j, carry):
            for b in range(NBUF):
                c = NBUF * j + b

                @pl.when(j > 0)
                def _():
                    writeback(c - NBUF, b).wait()

                gather(c, b).start()
                bb = (b + 2) % NBUF

                @pl.when(c >= 2)
                def _():
                    gather(c - 2, bb).wait()
                    writeback(c - 2, bb).start()

            return carry

        lax.fori_loop(0, NGRP, body, 0)
        for i in range(NCHUNK - NBUF * NGRP):
            c = NBUF * NGRP + i
            b = c % NBUF
            writeback(c - NBUF, b).wait()
            gather(c, b).start()
        for i in range(NCHUNK - NBUF * NGRP + 2):
            c = NBUF * NGRP - 2 + i
            b = c % NBUF
            gather(c, b).wait()
            writeback(c, b).start()
        for i in range(NBUF):
            c = NCHUNK - NBUF + i
            b = c % NBUF
            writeback(c, b).wait()

    return gk(kv, idx)


def _attn_body(g_ref, q_ref, rt_ref, srep_ref, wo_ref, bo_ref,
               y_ref, s1_ref, s2_ref):
    gi = g_ref[...]
    kg = lax.bitcast_convert_type(lax.shift_left(gi, 16), jnp.float32)
    vg = lax.bitcast_convert_type(gi & jnp.int32(-65536), jnp.float32)
    qrep = jnp.reshape(
        jnp.broadcast_to(q_ref[...][:, None, :], (BQ, K, C)), (RB, C))
    t = ((kg + rt_ref[...]) * qrep).astype(jnp.bfloat16)
    l = jnp.dot(t, srep_ref[...], preferred_element_type=jnp.float32)
    l3 = jnp.reshape(l, (BQ, K, C))
    e3 = jnp.exp(l3)
    den = jnp.sum(e3, axis=1) + 1e-16
    att = jnp.sum(e3 * jnp.reshape(vg, (BQ, K, C)), axis=1) / den
    y = jnp.dot(att, wo_ref[...], preferred_element_type=jnp.float32) + bo_ref[...]
    y_ref[...] = y

    @pl.when(pl.program_id(0) == 0)
    def _():
        s1_ref[...] = jnp.zeros_like(s1_ref)
        s2_ref[...] = jnp.zeros_like(s2_ref)

    s1_ref[...] += jnp.sum(y, axis=0, keepdims=True)
    s2_ref[...] += jnp.sum(y * y, axis=0, keepdims=True)


def _attn_body2(g_ref, q_ref, rt_ref, srep_ref, wo_ref, bo_ref, yin_ref,
                y_ref, s1_ref, s2_ref):
    _attn_body(g_ref, q_ref, rt_ref, srep_ref, wo_ref, bo_ref,
               y_ref, s1_ref, s2_ref)


def _attn(g, q, rt, srep, wo_t, bo, off, y_prev=None):
    common = [
        pl.BlockSpec((RB, C), lambda i: (i, 0)),
        pl.BlockSpec((BQ, C), lambda i: (i + off, 0)),
        pl.BlockSpec((RB, C), lambda i: (0, 0)),
        pl.BlockSpec((C, C), lambda i: (0, 0)),
        pl.BlockSpec((C, C), lambda i: (0, 0)),
        pl.BlockSpec((1, C), lambda i: (0, 0)),
    ]
    out_specs = [
        pl.BlockSpec((BQ, C), lambda i: (i + off, 0)),
        pl.BlockSpec((1, C), lambda i: (0, 0)),
        pl.BlockSpec((1, C), lambda i: (0, 0)),
    ]
    out_shape = [
        jax.ShapeDtypeStruct((N, C), jnp.float32),
        jax.ShapeDtypeStruct((1, C), jnp.float32),
        jax.ShapeDtypeStruct((1, C), jnp.float32),
    ]
    if y_prev is None:
        return pl.pallas_call(
            _attn_body, grid=(GB,), in_specs=common,
            out_specs=out_specs, out_shape=out_shape,
        )(g, q, rt, srep, wo_t, bo)
    return pl.pallas_call(
        _attn_body2, grid=(GB,),
        in_specs=common + [pl.BlockSpec((BQ, C), lambda i: (i + off, 0))],
        out_specs=out_specs, out_shape=out_shape,
        input_output_aliases={6: 0},
    )(g, q, rt, srep, wo_t, bo, y_prev)


def _bn1_body(y_ref, x_ref, s1_ref, s2_ref, s1b_ref, s2b_ref, g1_ref, b1_ref,
              wm1_ref, out_ref, h_ref, t1_ref, t2_ref):
    mu = (s1_ref[...] + s1b_ref[...]) / N
    var = (s2_ref[...] + s2b_ref[...]) / N - mu * mu
    rstd = lax.rsqrt(var + EPS)
    out_v = (y_ref[...] - mu) * (rstd * g1_ref[...]) + b1_ref[...] + x_ref[...]
    out_ref[...] = out_v
    h_v = jnp.dot(out_v, wm1_ref[...], preferred_element_type=jnp.float32)
    h_ref[...] = h_v

    @pl.when(pl.program_id(0) == 0)
    def _():
        t1_ref[...] = jnp.zeros_like(t1_ref)
        t2_ref[...] = jnp.zeros_like(t2_ref)

    t1_ref[...] += jnp.sum(h_v, axis=0, keepdims=True)
    t2_ref[...] += jnp.sum(h_v * h_v, axis=0, keepdims=True)


def _bn1(y, x, s1, s2, s1b, s2b, g1, b1, wm1_t):
    return pl.pallas_call(
        _bn1_body,
        grid=(GN,),
        in_specs=[
            pl.BlockSpec((BN_ROWS, C), lambda i: (i, 0)),
            pl.BlockSpec((BN_ROWS, C), lambda i: (i, 0)),
            pl.BlockSpec((1, C), lambda i: (0, 0)),
            pl.BlockSpec((1, C), lambda i: (0, 0)),
            pl.BlockSpec((1, C), lambda i: (0, 0)),
            pl.BlockSpec((1, C), lambda i: (0, 0)),
            pl.BlockSpec((1, C), lambda i: (0, 0)),
            pl.BlockSpec((1, C), lambda i: (0, 0)),
            pl.BlockSpec((C, C), lambda i: (0, 0)),
        ],
        out_specs=[
            pl.BlockSpec((BN_ROWS, C), lambda i: (i, 0)),
            pl.BlockSpec((BN_ROWS, C), lambda i: (i, 0)),
            pl.BlockSpec((1, C), lambda i: (0, 0)),
            pl.BlockSpec((1, C), lambda i: (0, 0)),
        ],
        out_shape=[
            jax.ShapeDtypeStruct((N, C), jnp.float32),
            jax.ShapeDtypeStruct((N, C), jnp.float32),
            jax.ShapeDtypeStruct((1, C), jnp.float32),
            jax.ShapeDtypeStruct((1, C), jnp.float32),
        ],
    )(y, x, s1, s2, s1b, s2b, g1, b1, wm1_t)


def _mlp_body(h_ref, t1_ref, t2_ref, gm_ref, bm_ref, wm2_ref, bm2_ref,
              z_ref, u1_ref, u2_ref):
    mu = t1_ref[...] / N
    var = t2_ref[...] / N - mu * mu
    rstd = lax.rsqrt(var + EPS)
    hb = jnp.maximum((h_ref[...] - mu) * (rstd * gm_ref[...]) + bm_ref[...], 0.0)
    z_v = jnp.dot(hb, wm2_ref[...], preferred_element_type=jnp.float32) + bm2_ref[...]
    z_ref[...] = z_v

    @pl.when(pl.program_id(0) == 0)
    def _():
        u1_ref[...] = jnp.zeros_like(u1_ref)
        u2_ref[...] = jnp.zeros_like(u2_ref)

    u1_ref[...] += jnp.sum(z_v, axis=0, keepdims=True)
    u2_ref[...] += jnp.sum(z_v * z_v, axis=0, keepdims=True)


def _mlp(h, t1, t2, gm, bm, wm2_t, bm2):
    return pl.pallas_call(
        _mlp_body,
        grid=(GN,),
        in_specs=[
            pl.BlockSpec((BN_ROWS, C), lambda i: (i, 0)),
            pl.BlockSpec((1, C), lambda i: (0, 0)),
            pl.BlockSpec((1, C), lambda i: (0, 0)),
            pl.BlockSpec((1, C), lambda i: (0, 0)),
            pl.BlockSpec((1, C), lambda i: (0, 0)),
            pl.BlockSpec((C, C), lambda i: (0, 0)),
            pl.BlockSpec((1, C), lambda i: (0, 0)),
        ],
        out_specs=[
            pl.BlockSpec((BN_ROWS, C), lambda i: (i, 0)),
            pl.BlockSpec((1, C), lambda i: (0, 0)),
            pl.BlockSpec((1, C), lambda i: (0, 0)),
        ],
        out_shape=[
            jax.ShapeDtypeStruct((N, C), jnp.float32),
            jax.ShapeDtypeStruct((1, C), jnp.float32),
            jax.ShapeDtypeStruct((1, C), jnp.float32),
        ],
    )(h, t1, t2, gm, bm, wm2_t, bm2)


def _bn2_body(z_ref, u1_ref, u2_ref, g2_ref, b2_ref, out_ref, o2_ref):
    mu = u1_ref[...] / N
    var = u2_ref[...] / N - mu * mu
    rstd = lax.rsqrt(var + EPS)
    o2_ref[...] = (z_ref[...] - mu) * (rstd * g2_ref[...]) + b2_ref[...] + out_ref[...]


def _bn2(z, u1, u2, g2, b2, out_):
    return pl.pallas_call(
        _bn2_body,
        grid=(GN,),
        in_specs=[
            pl.BlockSpec((BN_ROWS, C), lambda i: (i, 0)),
            pl.BlockSpec((1, C), lambda i: (0, 0)),
            pl.BlockSpec((1, C), lambda i: (0, 0)),
            pl.BlockSpec((1, C), lambda i: (0, 0)),
            pl.BlockSpec((1, C), lambda i: (0, 0)),
            pl.BlockSpec((BN_ROWS, C), lambda i: (i, 0)),
        ],
        out_specs=pl.BlockSpec((BN_ROWS, C), lambda i: (i, 0)),
        out_shape=jax.ShapeDtypeStruct((N, C), jnp.float32),
    )(z, u1, u2, g2, b2, out_)


def kernel(x, kq_map, rel_pos, Wq, bq, Wk, bk, Wv, bv, Wp1, bp1, Wp2, bp2,
           Wo, bo, g1, b1, Wm1, gm, bm, Wm2, bm2, g2, b2):
    f32 = jnp.float32
    scale = 1.0 / (A ** 0.5)

    w_all = jnp.concatenate([Wq.T * scale, Wk.T, Wv.T], axis=1)
    b_all = jnp.concatenate([bq * scale, bk, bv]).reshape(1, 3 * C)

    kidx = (kq_map[0] // K).astype(jnp.int32)
    pad = jnp.zeros((M2 - MPH,), jnp.int32)
    idx1 = jnp.concatenate([kidx[:MPH], pad])
    idx2 = jnp.concatenate([kidx[MPH:], pad])

    rp = jnp.zeros((32, 8), f32).at[:K, :3].set(rel_pos)
    w1p = jnp.zeros((8, 8), f32).at[:3, :3].set(Wp1.T)
    b1p = jnp.zeros((1, 8), f32).at[0, :3].set(bp1)
    w2p = jnp.zeros((8, C), f32).at[:3, :].set(Wp2.T)
    b2p = bp2.reshape(1, C)

    hid = jnp.arange(C, dtype=jnp.int32) // A
    srep = (hid[:, None] == hid[None, :]).astype(f32)

    q, kv = _proj(x, w_all, b_all)
    r = _rel(rp, w1p, b1p, w2p, b2p)
    rt = jnp.tile(r[:K], (BQ, 1))
    g_1 = _sc_gather(kv, idx1)
    g_2 = _sc_gather(kv, idx2)
    srep_b = srep.astype(jnp.bfloat16)
    bo_r = bo.reshape(1, C)
    y0, s1a, s2a = _attn(g_1, q, rt, srep_b, Wo.T, bo_r, 0)
    y, s1b, s2b = _attn(g_2, q, rt, srep_b, Wo.T, bo_r, GB, y_prev=y0)
    out_, h, t1, t2 = _bn1(y, x, s1a, s2a, s1b, s2b, g1.reshape(1, C),
                           b1.reshape(1, C), Wm1.T)
    z, u1, u2 = _mlp(h, t1, t2, gm.reshape(1, C), bm.reshape(1, C),
                     Wm2.T, bm2.reshape(1, C))
    return _bn2(z, u1, u2, g2.reshape(1, C), b2.reshape(1, C), out_)

# --- scband reference (transcript-rebuilt; emitter-appended) ---
"""Pipeline reference for scband-multi-head-self-attention-block-56556129353873 (READ-ONLY COPY).

The authoritative reference and input builder live on the scoring server;
editing this copy changes nothing except your own understanding.
"""

import jax, jax.numpy as jnp
import numpy as np

N = 20000
K = 27
C = 128
H = 8
A = C // H
M = N * K
EPS = 1e-5


def _gen_rel_pos():
    rel = []
    pm = K_SIZE // 2
    for z in reversed(range(-pm, pm + 1)):
        for y in reversed(range(-pm, pm + 1)):
            for x in reversed(range(-pm, pm + 1)):
                rel.append([x, y, z])
    return jnp.asarray(np.array(rel, dtype=np.float32))

K_SIZE = 3


def setup_inputs(seed: int = 0):
    key = jax.random.key(seed)
    ks = jax.random.split(key, 12)
    x = jax.random.normal(ks[0], (N, C), dtype=jnp.float32)
    # kernel map: every query voxel attends to K=27 neighbors (random key indices here);
    # kq_map[0] = key_idx * K + kernel_offset, kq_map[1] = query_idx (matches ME/FPT layout)
    qidx = jnp.repeat(jnp.arange(N, dtype=jnp.int32), K)
    off = jnp.tile(jnp.arange(K, dtype=jnp.int32), N)
    kidx = jax.random.randint(ks[1], (M,), 0, N, dtype=jnp.int32)
    kq_map = jnp.stack([kidx * K + off, qidx], axis=0)
    s = 0.02
    params = dict(
        Wq=jax.random.normal(ks[2], (C, C), dtype=jnp.float32) * s, bq=jnp.zeros((C,), jnp.float32),
        Wk=jax.random.normal(ks[3], (C, C), dtype=jnp.float32) * s, bk=jnp.zeros((C,), jnp.float32),
        Wv=jax.random.normal(ks[4], (C, C), dtype=jnp.float32) * s, bv=jnp.zeros((C,), jnp.float32),
        Wp1=jax.random.normal(ks[5], (3, 3), dtype=jnp.float32) * s, bp1=jnp.zeros((3,), jnp.float32),
        Wp2=jax.random.normal(ks[6], (C, 3), dtype=jnp.float32) * s, bp2=jnp.zeros((C,), jnp.float32),
        Wo=jax.random.normal(ks[7], (C, C), dtype=jnp.float32) * s, bo=jnp.zeros((C,), jnp.float32),
        g1=jnp.ones((C,), jnp.float32), b1=jnp.zeros((C,), jnp.float32),
        Wm1=jax.random.normal(ks[8], (C, C), dtype=jnp.float32) * s,
        gm=jnp.ones((C,), jnp.float32), bm=jnp.zeros((C,), jnp.float32),
        Wm2=jax.random.normal(ks[9], (C, C), dtype=jnp.float32) * s, bm2=jnp.zeros((C,), jnp.float32),
        g2=jnp.ones((C,), jnp.float32), b2=jnp.zeros((C,), jnp.float32),
    )
    return {"x": x, "kq_map": kq_map, "rel_pos": _gen_rel_pos(), **params}


def _bn(t, g, b):
    # MinkowskiBatchNorm in training mode over the point (batch) dimension
    mu = jnp.mean(t, axis=0)
    var = jnp.var(t, axis=0)
    return (t - mu) / jnp.sqrt(var + EPS) * g + b


def reference(x, kq_map, rel_pos, Wq, bq, Wk, bk, Wv, bv, Wp1, bp1, Wp2, bp2, Wo, bo, g1, b1, Wm1, gm, bm, Wm2, bm2, g2, b2):
    # --- MultiHeadSelfAttention ---
    q = (x @ Wq.T + bq).reshape(N, H, A)
    k_ = (x @ Wk.T + bk).reshape(N, H, A)
    v = (x @ Wv.T + bv).reshape(N, H, A)
    r = (jax.nn.relu(rel_pos @ Wp1.T + bp1) @ Wp2.T + bp2).reshape(K, H, A)
    ki = kq_map[0] // K
    off = kq_map[0] % K
    qi = kq_map[1]
    # dot_product_with_key: attn[m,h] = sum_c q[qi,h,c] * (k[ki,h,c] + r[off,h,c])
    attn = jnp.sum(q[qi] * (k_[ki] + r[off]), axis=-1) / jnp.sqrt(float(A))
    # scatter_softmax over query index
    amax = jax.ops.segment_max(attn, qi, num_segments=N)
    e = jnp.exp(attn - amax[qi])
    denom = jax.ops.segment_sum(e, qi, num_segments=N)
    attn_sm = e / (denom[qi] + 1e-16)
    # scalar_attention: out[qi,h,c] += attn[m,h] * v[ki,h,c]
    out = jax.ops.segment_sum(attn_sm[:, :, None] * v[ki], qi, num_segments=N)
    out = out.reshape(N, C) @ Wo.T + bo
    # --- Block: norm1 + residual, MLP + norm2 + residual ---
    out_ = _bn(out, g1, b1) + x
    h = out_ @ Wm1.T
    h = jax.nn.relu(_bn(h, gm, bm))
    h = h @ Wm2.T + bm2
    out2 = _bn(h, g2, b2) + out_
    return out2

if __name__ == "__main__":
    import jax
    _d = setup_inputs()
    print(jax.jit(kernel)(*tuple(_d.values())))

</pallas_src>

<mosaic_0001>
#map = affine_map<(d0, d1) -> (0, 0)>
#map1 = affine_map<(d0, d1) -> (0)>
module attributes {stable_mosaic.version = 14 : i64} {
  func.func @gk(%arg0: i32, %arg1: i32, %arg2: memref<20000x128xi32, #tpu.memory_space<hbm>>, %arg3: memref<271360xi32, #tpu.memory_space<hbm>>, %arg4: memref<271360x128xi32, #tpu.memory_space<hbm>>, %arg5: memref<8480xi32, #tpu.memory_space<vmem>>, %arg6: memref<40x128xi32, #tpu.memory_space<vmem>>, %arg7: memref<40x128xi32, #tpu.memory_space<vmem>>, %arg8: memref<40x128xi32, #tpu.memory_space<vmem>>, %arg9: memref<40x128xi32, #tpu.memory_space<vmem>>, %arg10: memref<!tpu.dma_semaphore, #tpu.memory_space<semaphore_mem>>, %arg11: memref<!tpu.dma_semaphore, #tpu.memory_space<semaphore_mem>>, %arg12: memref<!tpu.dma_semaphore, #tpu.memory_space<semaphore_mem>>, %arg13: memref<!tpu.dma_semaphore, #tpu.memory_space<semaphore_mem>>, %arg14: memref<!tpu.dma_semaphore, #tpu.memory_space<semaphore_mem>>, %arg15: memref<!tpu.dma_semaphore, #tpu.memory_space<semaphore_mem>>, %arg16: memref<!tpu.dma_semaphore, #tpu.memory_space<semaphore_mem>>, %arg17: memref<!tpu.dma_semaphore, #tpu.memory_space<semaphore_mem>>) attributes {dimension_semantics = [#tpu.dimension_semantics<core_parallel>, #tpu.dimension_semantics<subcore_parallel>], iteration_bounds = array<i64: 2, 16>, scalar_prefetch = 0 : i64, scratch_operands = 13 : i64, tpu.core_type = #tpu.core_type<sc_vector_subcore>, window_params = [{transform_indices = #map}, {transform_indices = #map1}, {transform_indices = #map}]} {
    %mul3A = arith.constant 2 : i32
    %mul3A_0 = arith.muli %arg1, %mul3A : i32
    %add3A = arith.addi %mul3A_0, %arg0 : i32
    %mul3A_1 = arith.constant 8480 : i32
    %mul3A_2 = arith.muli %add3A, %mul3A_1 : i32
    "tpu.region"() ({
      %run_scoped3A = tpu.sem_alloc : memref<!tpu.dma_semaphore, #tpu.memory_space<semaphore_mem>>
      %dma_start3A_52 = tpu.memref_slice %arg3[%mul3A_2] : memref<271360xi32, #tpu.memory_space<hbm>> -> memref<8480xi32, #tpu.memory_space<hbm>>
      %dma_start3A_53 = tpu.memref_slice %arg3[%mul3A_2] : memref<271360xi32, #tpu.memory_space<hbm>> -> memref<8480xi32, #tpu.memory_space<hbm>>
      tpu.enqueue_dma source(%dma_start3A_53 : memref<8480xi32, #tpu.memory_space<hbm>>) target(%arg5 : memref<8480xi32, #tpu.memory_space<vmem>>) target_semaphore(%run_scoped3A : memref<!tpu.dma_semaphore, #tpu.memory_space<semaphore_mem>>)
      %dma_wait3A_54 = tpu.memref_slice %arg3[%mul3A_2] : memref<271360xi32, #tpu.memory_space<hbm>> -> memref<8480xi32, #tpu.memory_space<hbm>>
      %dma_wait3A_55 = tpu.memref_slice %arg3[%mul3A_2] : memref<271360xi32, #tpu.memory_space<hbm>> -> memref<8480xi32, #tpu.memory_space<hbm>>
      tpu.wait_dma2 semaphore(%run_scoped3A : memref<!tpu.dma_semaphore, #tpu.memory_space<semaphore_mem>>) src(%dma_wait3A_55 : memref<8480xi32, #tpu.memory_space<hbm>>) dst(%arg5 : memref<8480xi32, #tpu.memory_space<vmem>>)
      tpu.yield
    }) : () -> ()
    %scan3A = arith.constant 0 : i32
    %scan3A_3 = arith.constant 0 : i32
    %scan3A_4 = arith.constant 53 : i32
    %scan3A_5 = arith.addi %scan3A_3, %scan3A_4 : i32
    %scan3A_6 = arith.constant 1 : i32
    scf.for %scan3A_52 = %scan3A_3 to %scan3A_5 step %scan3A_6  : i32 {
      %mul3A_53 = arith.constant 4 : i32
      %mul3A_54 = arith.muli %mul3A_53, %scan3A_52 : i32
      %add3A_55 = arith.constant 0 : i32
      %add3A_56 = arith.addi %mul3A_54, %add3A_55 : i32
      %gt3A = arith.constant 0 : i32
      %gt3A_57 = arith.cmpi sgt, %scan3A_52, %gt3A : i32
      %convert_element_type3A = arith.extui %gt3A_57 : i1 to i32
      %cond3A = arith.constant 0 : i32
      %cond3A_58 = arith.cmpi ne, %convert_element_type3A, %cond3A : i32
      scf.if %cond3A_58 {
        %sub3A = arith.constant 4 : i32
        %sub3A_129 = arith.subi %add3A_56, %sub3A : i32
        %mul3A_130 = arith.constant 40 : i32
        %mul3A_131 = arith.muli %sub3A_129, %mul3A_130 : i32
        %add3A_132 = arith.addi %mul3A_2, %mul3A_131 : i32
        %dma_wait3A_133 = arith.constant 0 : i32
        %dma_wait3A_134 = tpu.memref_slice %arg4[%add3A_132, %dma_wait3A_133] : memref<271360x128xi32, #tpu.memory_space<hbm>> -> memref<40x128xi32, #tpu.memory_space<hbm>>
        %dma_wait3A_135 = arith.constant 0 : i32
        %dma_wait3A_136 = tpu.memref_slice %arg4[%add3A_132, %dma_wait3A_135] : memref<271360x128xi32, #tpu.memory_space<hbm>> -> memref<40x128xi32, #tpu.memory_space<hbm>>
        tpu.wait_dma2 semaphore(%arg14 : memref<!tpu.dma_semaphore, #tpu.memory_space<semaphore_mem>>) src(%arg6 : memref<40x128xi32, #tpu.memory_space<vmem>>) dst(%dma_wait3A_136 : memref<40x128xi32, #tpu.memory_space<hbm>>)
      } else {
      }
      %mul3A_59 = arith.constant 40 : i32
      %mul3A_60 = arith.muli %add3A_56, %mul3A_59 : i32
      %dma_start3A_61 = tpu.memref_slice %arg5[%mul3A_60] : memref<8480xi32, #tpu.memory_space<vmem>> -> memref<40xi32, #tpu.memory_space<vmem>>
      %dma_start3A_62 = arith.constant 0 : i32
      %dma_start3A_63 = arith.constant 0 : i32
      %dma_start3A_64 = tpu.memref_slice %arg2[%dma_start3A_62, %dma_start3A_63] : memref<20000x128xi32, #tpu.memory_space<hbm>> -> memref<20000x128xi32, #tpu.memory_space<hbm>>
      tpu.enqueue_indirect_dma source(%dma_start3A_64 : memref<20000x128xi32, #tpu.memory_space<hbm>>) target(%arg6 : memref<40x128xi32, #tpu.memory_space<vmem>>) offsets(%dma_start3A_61 : memref<40xi32, #tpu.memory_space<vmem>>) semaphore(%arg10 : memref<!tpu.dma_semaphore, #tpu.memory_space<semaphore_mem>>)
      %ge3A = arith.constant 2 : i32
      %ge3A_65 = arith.cmpi sge, %add3A_56, %ge3A : i32
      %convert_element_type3A_66 = arith.extui %ge3A_65 : i1 to i32
      %cond3A_67 = arith.constant 0 : i32
      %cond3A_68 = arith.cmpi ne, %convert_element_type3A_66, %cond3A_67 : i32
      scf.if %cond3A_68 {
        %sub3A = arith.constant 2 : i32
        %sub3A_129 = arith.subi %add3A_56, %sub3A : i32
        %mul3A_130 = arith.constant 40 : i32
        %mul3A_131 = arith.muli %sub3A_129, %mul3A_130 : i32
        %dma_wait3A_132 = tpu.memref_slice %arg5[%mul3A_131] : memref<8480xi32, #tpu.memory_space<vmem>> -> memref<40xi32, #tpu.memory_space<vmem>>
        %dma_wait3A_133 = arith.constant 0 : i32
        %dma_wait3A_134 = arith.constant 0 : i32
        %dma_wait3A_135 = tpu.memref_slice %arg2[%dma_wait3A_133, %dma_wait3A_134] : memref<20000x128xi32, #tpu.memory_space<hbm>> -> memref<20000x128xi32, #tpu.memory_space<hbm>>
        tpu.wait_indirect_dma semaphore(%arg12 : memref<!tpu.dma_semaphore, #tpu.memory_space<semaphore_mem>>) src(%dma_wait3A_135 : memref<20000x128xi32, #tpu.memory_space<hbm>>) dst(%arg8 : memref<40x128xi32, #tpu.memory_space<vmem>>)
        %sub3A_136 = arith.constant 2 : i32
        %sub3A_137 = arith.subi %add3A_56, %sub3A_136 : i32
        %mul3A_138 = arith.constant 40 : i32
        %mul3A_139 = arith.muli %sub3A_137, %mul3A_138 : i32
        %add3A_140 = arith.addi %mul3A_2, %mul3A_139 : i32
        %dma_start3A_141 = arith.constant 0 : i32
        %dma_start3A_142 = tpu.memref_slice %arg4[%add3A_140, %dma_start3A_141] : memref<271360x128xi32, #tpu.memory_space<hbm>> -> memref<40x128xi32, #tpu.memory_space<hbm>>
        %dma_start3A_143 = arith.constant 0 : i32
        %dma_start3A_144 = tpu.memref_slice %arg4[%add3A_140, %dma_start3A_143] : memref<271360x128xi32, #tpu.memory_space<hbm>> -> memref<40x128xi32, #tpu.memory_space<hbm>>
        tpu.enqueue_dma source(%arg8 : memref<40x128xi32, #tpu.memory_space<vmem>>) target(%dma_start3A_144 : memref<40x128xi32, #tpu.memory_space<hbm>>) target_semaphore(%arg16 : memref<!tpu.dma_semaphore, #tpu.memory_space<semaphore_mem>>)
      } else {
      }
      %mul3A_69 = arith.constant 4 : i32
      %mul3A_70 = arith.muli %mul3A_69, %scan3A_52 : i32
      %add3A_71 = arith.constant 1 : i32
      %add3A_72 = arith.addi %mul3A_70, %add3A_71 : i32
      %gt3A_73 = arith.constant 0 : i32
      %gt3A_74 = arith.cmpi sgt, %scan3A_52, %gt3A_73 : i32
      %convert_element_type3A_75 = arith.extui %gt3A_74 : i1 to i32
      %cond3A_76 = arith.constant 0 : i32
      %cond3A_77 = arith.cmpi ne, %convert_element_type3A_75, %cond3A_76 : i32
      scf.if %cond3A_77 {
        %sub3A = arith.constant 4 : i32
        %sub3A_129 = arith.subi %add3A_72, %sub3A : i32
        %mul3A_130 = arith.constant 40 : i32
        %mul3A_131 = arith.muli %sub3A_129, %mul3A_130 : i32
        %add3A_132 = arith.addi %mul3A_2, %mul3A_131 : i32
        %dma_wait3A_133 = arith.constant 0 : i32
        %dma_wait3A_134 = tpu.memref_slice %arg4[%add3A_132, %dma_wait3A_133] : memref<271360x128xi32, #tpu.memory_space<hbm>> -> memref<40x128xi32, #tpu.memory_space<hbm>>
        %dma_wait3A_135 = arith.constant 0 : i32
        %dma_wait3A_136 = tpu.memref_slice %arg4[%add3A_132, %dma_wait3A_135] : memref<271360x128xi32, #tpu.memory_space<hbm>> -> memref<40x128xi32, #tpu.memory_space<hbm>>
        tpu.wait_dma2 semaphore(%arg15 : memref<!tpu.dma_semaphore, #tpu.memory_space<semaphore_mem>>) src(%arg7 : memref<40x128xi32, #tpu.memory_space<vmem>>) dst(%dma_wait3A_136 : memref<40x128xi32, #tpu.memory_space<hbm>>)
      } else {
      }
      %mul3A_78 = arith.constant 40 : i32
      %mul3A_79 = arith.muli %add3A_72, %mul3A_78 : i32
      %dma_start3A_80 = tpu.memref_slice %arg5[%mul3A_79] : memref<8480xi32, #tpu.memory_space<vmem>> -> memref<40xi32, #tpu.memory_space<vmem>>
      %dma_start3A_81 = arith.constant 0 : i32
      %dma_start3A_82 = arith.constant 0 : i32
      %dma_start3A_83 = tpu.memref_slice %arg2[%dma_start3A_81, %dma_start3A_82] : memref<20000x128xi32, #tpu.memory_space<hbm>> -> memref<20000x128xi32, #tpu.memory_space<hbm>>
      tpu.enqueue_indirect_dma source(%dma_start3A_83 : memref<20000x128xi32, #tpu.memory_space<hbm>>) target(%arg7 : memref<40x128xi32, #tpu.memory_space<vmem>>) offsets(%dma_start3A_80 : memref<40xi32, #tpu.memory_space<vmem>>) semaphore(%arg11 : memref<!tpu.dma_semaphore, #tpu.memory_space<semaphore_mem>>)
      %ge3A_84 = arith.constant 2 : i32
      %ge3A_85 = arith.cmpi sge, %add3A_72, %ge3A_84 : i32
      %convert_element_type3A_86 = arith.extui %ge3A_85 : i1 to i32
      %cond3A_87 = arith.constant 0 : i32
      %cond3A_88 = arith.cmpi ne, %convert_element_type3A_86, %cond3A_87 : i32
      scf.if %cond3A_88 {
        %sub3A = arith.constant 2 : i32
        %sub3A_129 = arith.subi %add3A_72, %sub3A : i32
        %mul3A_130 = arith.constant 40 : i32
        %mul3A_131 = arith.muli %sub3A_129, %mul3A_130 : i32
        %dma_wait3A_132 = tpu.memref_slice %arg5[%mul3A_131] : memref<8480xi32, #tpu.memory_space<vmem>> -> memref<40xi32, #tpu.memory_space<vmem>>
        %dma_wait3A_133 = arith.constant 0 : i32
        %dma_wait3A_134 = arith.constant 0 : i32
        %dma_wait3A_135 = tpu.memref_slice %arg2[%dma_wait3A_133, %dma_wait3A_134] : memref<20000x128xi32, #tpu.memory_space<hbm>> -> memref<20000x128xi32, #tpu.memory_space<hbm>>
        tpu.wait_indirect_dma semaphore(%arg13 : memref<!tpu.dma_semaphore, #tpu.memory_space<semaphore_mem>>) src(%dma_wait3A_135 : memref<20000x128xi32, #tpu.memory_space<hbm>>) dst(%arg9 : memref<40x128xi32, #tpu.memory_space<vmem>>)
        %sub3A_136 = arith.constant 2 : i32
        %sub3A_137 = arith.subi %add3A_72, %sub3A_136 : i32
        %mul3A_138 = arith.constant 40 : i32
        %mul3A_139 = arith.muli %sub3A_137, %mul3A_138 : i32
        %add3A_140 = arith.addi %mul3A_2, %mul3A_139 : i32
        %dma_start3A_141 = arith.constant 0 : i32
        %dma_start3A_142 = tpu.memref_slice %arg4[%add3A_140, %dma_start3A_141] : memref<271360x128xi32, #tpu.memory_space<hbm>> -> memref<40x128xi32, #tpu.memory_space<hbm>>
        %dma_start3A_143 = arith.constant 0 : i32
        %dma_start3A_144 = tpu.memref_slice %arg4[%add3A_140, %dma_start3A_143] : memref<271360x128xi32, #tpu.memory_space<hbm>> -> memref<40x128xi32, #tpu.memory_space<hbm>>
        tpu.enqueue_dma source(%arg9 : memref<40x128xi32, #tpu.memory_space<vmem>>) target(%dma_start3A_144 : memref<40x128xi32, #tpu.memory_space<hbm>>) target_semaphore(%arg17 : memref<!tpu.dma_semaphore, #tpu.memory_space<semaphore_mem>>)
      } else {
      }
      %mul3A_89 = arith.constant 4 : i32
      %mul3A_90 = arith.muli %mul3A_89, %scan3A_52 : i32
      %add3A_91 = arith.constant 2 : i32
      %add3A_92 = arith.addi %mul3A_90, %add3A_91 : i32
      %gt3A_93 = arith.constant 0 : i32
      %gt3A_94 = arith.cmpi sgt, %scan3A_52, %gt3A_93 : i32
      %convert_element_type3A_95 = arith.extui %gt3A_94 : i1 to i32
      %cond3A_96 = arith.constant 0 : i32
      %cond3A_97 = arith.cmpi ne, %convert_element_type3A_95, %cond3A_96 : i32
      scf.if %cond3A_97 {
        %sub3A = arith.constant 4 : i32
        %sub3A_129 = arith.subi %add3A_92, %sub3A : i32
        %mul3A_130 = arith.constant 40 : i32
        %mul3A_131 = arith.muli %sub3A_129, %mul3A_130 : i32
        %add3A_132 = arith.addi %mul3A_2, %mul3A_131 : i32
        %dma_wait3A_133 = arith.constant 0 : i32
        %dma_wait3A_134 = tpu.memref_slice %arg4[%add3A_132, %dma_wait3A_133] : memref<271360x128xi32, #tpu.memory_space<hbm>> -> memref<40x128xi32, #tpu.memory_space<hbm>>
        %dma_wait3A_135 = arith.constant 0 : i32
        %dma_wait3A_136 = tpu.memref_slice %arg4[%add3A_132, %dma_wait3A_135] : memref<271360x128xi32, #tpu.memory_space<hbm>> -> memref<40x128xi32, #tpu.memory_space<hbm>>
        tpu.wait_dma2 semaphore(%arg16 : memref<!tpu.dma_semaphore, #tpu.memory_space<semaphore_mem>>) src(%arg8 : memref<40x128xi32, #tpu.memory_space<vmem>>) dst(%dma_wait3A_136 : memref<40x128xi32, #tpu.memory_space<hbm>>)
      } else {
      }
      %mul3A_98 = arith.constant 40 : i32
      %mul3A_99 = arith.muli %add3A_92, %mul3A_98 : i32
      %dma_start3A_100 = tpu.memref_slice %arg5[%mul3A_99] : memref<8480xi32, #tpu.memory_space<vmem>> -> memref<40xi32, #tpu.memory_space<vmem>>
      %dma_start3A_101 = arith.constant 0 : i32
      %dma_start3A_102 = arith.constant 0 : i32
      %dma_start3A_103 = tpu.memref_slice %arg2[%dma_start3A_101, %dma_start3A_102] : memref<20000x128xi32, #tpu.memory_space<hbm>> -> memref<20000x128xi32, #tpu.memory_space<hbm>>
      tpu.enqueue_indirect_dma source(%dma_start3A_103 : memref<20000x128xi32, #tpu.memory_space<hbm>>) target(%arg8 : memref<40x128xi32, #tpu.memory_space<vmem>>) offsets(%dma_start3A_100 : memref<40xi32, #tpu.memory_space<vmem>>) semaphore(%arg12 : memref<!tpu.dma_semaphore, #tpu.memory_space<semaphore_mem>>)
      %ge3A_104 = arith.constant 2 : i32
      %ge3A_105 = arith.cmpi sge, %add3A_92, %ge3A_104 : i32
      %convert_element_type3A_106 = arith.extui %ge3A_105 : i1 to i32
      %cond3A_107 = arith.constant 0 : i32
      %cond3A_108 = arith.cmpi ne, %convert_element_type3A_106, %cond3A_107 : i32
      scf.if %cond3A_108 {
        %sub3A = arith.constant 2 : i32
        %sub3A_129 = arith.subi %add3A_92, %sub3A : i32
        %mul3A_130 = arith.constant 40 : i32
        %mul3A_131 = arith.muli %sub3A_129, %mul3A_130 : i32
        %dma_wait3A_132 = tpu.memref_slice %arg5[%mul3A_131] : memref<8480xi32, #tpu.memory_space<vmem>> -> memref<40xi32, #tpu.memory_space<vmem>>
        %dma_wait3A_133 = arith.constant 0 : i32
        %dma_wait3A_134 = arith.constant 0 : i32
        %dma_wait3A_135 = tpu.memref_slice %arg2[%dma_wait3A_133, %dma_wait3A_134] : memref<20000x128xi32, #tpu.memory_space<hbm>> -> memref<20000x128xi32, #tpu.memory_space<hbm>>
        tpu.wait_indirect_dma semaphore(%arg10 : memref<!tpu.dma_semaphore, #tpu.memory_space<semaphore_mem>>) src(%dma_wait3A_135 : memref<20000x128xi32, #tpu.memory_space<hbm>>) dst(%arg6 : memref<40x128xi32, #tpu.memory_space<vmem>>)
        %sub3A_136 = arith.constant 2 : i32
        %sub3A_137 = arith.subi %add3A_92, %sub3A_136 : i32
        %mul3A_138 = arith.constant 40 : i32
        %mul3A_139 = arith.muli %sub3A_137, %mul3A_138 : i32
        %add3A_140 = arith.addi %mul3A_2, %mul3A_139 : i32
        %dma_start3A_141 = arith.constant 0 : i32
        %dma_start3A_142 = tpu.memref_slice %arg4[%add3A_140, %dma_start3A_141] : memref<271360x128xi32, #tpu.memory_space<hbm>> -> memref<40x128xi32, #tpu.memory_space<hbm>>
        %dma_start3A_143 = arith.constant 0 : i32
        %dma_start3A_144 = tpu.memref_slice %arg4[%add3A_140, %dma_start3A_143] : memref<271360x128xi32, #tpu.memory_space<hbm>> -> memref<40x128xi32, #tpu.memory_space<hbm>>
        tpu.enqueue_dma source(%arg6 : memref<40x128xi32, #tpu.memory_space<vmem>>) target(%dma_start3A_144 : memref<40x128xi32, #tpu.memory_space<hbm>>) target_semaphore(%arg14 : memref<!tpu.dma_semaphore, #tpu.memory_space<semaphore_mem>>)
      } else {
      }
      %mul3A_109 = arith.constant 4 : i32
      %mul3A_110 = arith.muli %mul3A_109, %scan3A_52 : i32
      %add3A_111 = arith.constant 3 : i32
      %add3A_112 = arith.addi %mul3A_110, %add3A_111 : i32
      %gt3A_113 = arith.constant 0 : i32
      %gt3A_114 = arith.cmpi sgt, %scan3A_52, %gt3A_113 : i32
      %convert_element_type3A_115 = arith.extui %gt3A_114 : i1 to i32
      %cond3A_116 = arith.constant 0 : i32
      %cond3A_117 = arith.cmpi ne, %convert_element_type3A_115, %cond3A_116 : i32
      scf.if %cond3A_117 {
        %sub3A = arith.constant 4 : i32
        %sub3A_129 = arith.subi %add3A_112, %sub3A : i32
        %mul3A_130 = arith.constant 40 : i32
        %mul3A_131 = arith.muli %sub3A_129, %mul3A_130 : i32
        %add3A_132 = arith.addi %mul3A_2, %mul3A_131 : i32
        %dma_wait3A_133 = arith.constant 0 : i32
        %dma_wait3A_134 = tpu.memref_slice %arg4[%add3A_132, %dma_wait3A_133] : memref<271360x128xi32, #tpu.memory_space<hbm>> -> memref<40x128xi32, #tpu.memory_space<hbm>>
        %dma_wait3A_135 = arith.constant 0 : i32
        %dma_wait3A_136 = tpu.memref_slice %arg4[%add3A_132, %dma_wait3A_135] : memref<271360x128xi32, #tpu.memory_space<hbm>> -> memref<40x128xi32, #tpu.memory_space<hbm>>
        tpu.wait_dma2 semaphore(%arg17 : memref<!tpu.dma_semaphore, #tpu.memory_space<semaphore_mem>>) src(%arg9 : memref<40x128xi32, #tpu.memory_space<vmem>>) dst(%dma_wait3A_136 : memref<40x128xi32, #tpu.memory_space<hbm>>)
      } else {
      }
      %mul3A_118 = arith.constant 40 : i32
      %mul3A_119 = arith.muli %add3A_112, %mul3A_118 : i32
      %dma_start3A_120 = tpu.memref_slice %arg5[%mul3A_119] : memref<8480xi32, #tpu.memory_space<vmem>> -> memref<40xi32, #tpu.memory_space<vmem>>
      %dma_start3A_121 = arith.constant 0 : i32
      %dma_start3A_122 = arith.constant 0 : i32
      %dma_start3A_123 = tpu.memref_slice %arg2[%dma_start3A_121, %dma_start3A_122] : memref<20000x128xi32, #tpu.memory_space<hbm>> -> memref<20000x128xi32, #tpu.memory_space<hbm>>
      tpu.enqueue_indirect_dma source(%dma_start3A_123 : memref<20000x128xi32, #tpu.memory_space<hbm>>) target(%arg9 : memref<40x128xi32, #tpu.memory_space<vmem>>) offsets(%dma_start3A_120 : memref<40xi32, #tpu.memory_space<vmem>>) semaphore(%arg13 : memref<!tpu.dma_semaphore, #tpu.memory_space<semaphore_mem>>)
      %ge3A_124 = arith.constant 2 : i32
      %ge3A_125 = arith.cmpi sge, %add3A_112, %ge3A_124 : i32
      %convert_element_type3A_126 = arith.extui %ge3A_125 : i1 to i32
      %cond3A_127 = arith.constant 0 : i32
      %cond3A_128 = arith.cmpi ne, %convert_element_type3A_126, %cond3A_127 : i32
      scf.if %cond3A_128 {
        %sub3A = arith.constant 2 : i32
        %sub3A_129 = arith.subi %add3A_112, %sub3A : i32
        %mul3A_130 = arith.constant 40 : i32
        %mul3A_131 = arith.muli %sub3A_129, %mul3A_130 : i32
        %dma_wait3A_132 = tpu.memref_slice %arg5[%mul3A_131] : memref<8480xi32, #tpu.memory_space<vmem>> -> memref<40xi32, #tpu.memory_space<vmem>>
        %dma_wait3A_133 = arith.constant 0 : i32
        %dma_wait3A_134 = arith.constant 0 : i32
        %dma_wait3A_135 = tpu.memref_slice %arg2[%dma_wait3A_133, %dma_wait3A_134] : memref<20000x128xi32, #tpu.memory_space<hbm>> -> memref<20000x128xi32, #tpu.memory_space<hbm>>
        tpu.wait_indirect_dma semaphore(%arg11 : memref<!tpu.dma_semaphore, #tpu.memory_space<semaphore_mem>>) src(%dma_wait3A_135 : memref<20000x128xi32, #tpu.memory_space<hbm>>) dst(%arg7 : memref<40x128xi32, #tpu.memory_space<vmem>>)
        %sub3A_136 = arith.constant 2 : i32
        %sub3A_137 = arith.subi %add3A_112, %sub3A_136 : i32
        %mul3A_138 = arith.constant 40 : i32
        %mul3A_139 = arith.muli %sub3A_137, %mul3A_138 : i32
        %add3A_140 = arith.addi %mul3A_2, %mul3A_139 : i32
        %dma_start3A_141 = arith.constant 0 : i32
        %dma_start3A_142 = tpu.memref_slice %arg4[%add3A_140, %dma_start3A_141] : memref<271360x128xi32, #tpu.memory_space<hbm>> -> memref<40x128xi32, #tpu.memory_space<hbm>>
        %dma_start3A_143 = arith.constant 0 : i32
        %dma_start3A_144 = tpu.memref_slice %arg4[%add3A_140, %dma_start3A_143] : memref<271360x128xi32, #tpu.memory_space<hbm>> -> memref<40x128xi32, #tpu.memory_space<hbm>>
        tpu.enqueue_dma source(%arg7 : memref<40x128xi32, #tpu.memory_space<vmem>>) target(%dma_start3A_144 : memref<40x128xi32, #tpu.memory_space<hbm>>) target_semaphore(%arg15 : memref<!tpu.dma_semaphore, #tpu.memory_space<semaphore_mem>>)
      } else {
      }
    }
    %scan3A_7 = arith.constant 53 : i32
    %dma_wait3A = arith.constant 8400 : i32
    %dma_wait3A_8 = tpu.memref_slice %arg5[%dma_wait3A] : memref<8480xi32, #tpu.memory_space<vmem>> -> memref<40xi32, #tpu.memory_space<vmem>>
    %dma_wait3A_9 = arith.constant 0 : i32
    %dma_wait3A_10 = arith.constant 0 : i32
    %dma_wait3A_11 = tpu.memref_slice %arg2[%dma_wait3A_9, %dma_wait3A_10] : memref<20000x128xi32, #tpu.memory_space<hbm>> -> memref<20000x128xi32, #tpu.memory_space<hbm>>
    tpu.wait_indirect_dma semaphore(%arg12 : memref<!tpu.dma_semaphore, #tpu.memory_space<semaphore_mem>>) src(%dma_wait3A_11 : memref<20000x128xi32, #tpu.memory_space<hbm>>) dst(%arg8 : memref<40x128xi32, #tpu.memory_space<vmem>>)
    %add3A_12 = arith.constant 8400 : i32
    %add3A_13 = arith.addi %mul3A_2, %add3A_12 : i32
    %dma_start3A = arith.constant 0 : i32
    %dma_start3A_14 = tpu.memref_slice %arg4[%add3A_13, %dma_start3A] : memref<271360x128xi32, #tpu.memory_space<hbm>> -> memref<40x128xi32, #tpu.memory_space<hbm>>
    %dma_start3A_15 = arith.constant 0 : i32
    %dma_start3A_16 = tpu.memref_slice %arg4[%add3A_13, %dma_start3A_15] : memref<271360x128xi32, #tpu.memory_space<hbm>> -> memref<40x128xi32, #tpu.memory_space<hbm>>
    tpu.enqueue_dma source(%arg8 : memref<40x128xi32, #tpu.memory_space<vmem>>) target(%dma_start3A_16 : memref<40x128xi32, #tpu.memory_space<hbm>>) target_semaphore(%arg16 : memref<!tpu.dma_semaphore, #tpu.memory_space<semaphore_mem>>)
    %dma_wait3A_17 = arith.constant 8440 : i32
    %dma_wait3A_18 = tpu.memref_slice %arg5[%dma_wait3A_17] : memref<8480xi32, #tpu.memory_space<vmem>> -> memref<40xi32, #tpu.memory_space<vmem>>
    %dma_wait3A_19 = arith.constant 0 : i32
    %dma_wait3A_20 = arith.constant 0 : i32
    %dma_wait3A_21 = tpu.memref_slice %arg2[%dma_wait3A_19, %dma_wait3A_20] : memref<20000x128xi32, #tpu.memory_space<hbm>> -> memref<20000x128xi32, #tpu.memory_space<hbm>>
    tpu.wait_indirect_dma semaphore(%arg13 : memref<!tpu.dma_semaphore, #tpu.memory_space<semaphore_mem>>) src(%dma_wait3A_21 : memref<20000x128xi32, #tpu.memory_space<hbm>>) dst(%arg9 : memref<40x128xi32, #tpu.memory_space<vmem>>)
    %add3A_22 = arith.constant 8440 : i32
    %add3A_23 = arith.addi %mul3A_2, %add3A_22 : i32
    %dma_start3A_24 = arith.constant 0 : i32
    %dma_start3A_25 = tpu.memref_slice %arg4[%add3A_23, %dma_start3A_24] : memref<271360x128xi32, #tpu.memory_space<hbm>> -> memref<40x128xi32, #tpu.memory_space<hbm>>
    %dma_start3A_26 = arith.constant 0 : i32
    %dma_start3A_27 = tpu.memref_slice %arg4[%add3A_23, %dma_start3A_26] : memref<271360x128xi32, #tpu.memory_space<hbm>> -> memref<40x128xi32, #tpu.memory_space<hbm>>
    tpu.enqueue_dma source(%arg9 : memref<40x128xi32, #tpu.memory_space<vmem>>) target(%dma_start3A_27 : memref<40x128xi32, #tpu.memory_space<hbm>>) target_semaphore(%arg17 : memref<!tpu.dma_semaphore, #tpu.memory_space<semaphore_mem>>)
    %add3A_28 = arith.constant 8320 : i32
    %add3A_29 = arith.addi %mul3A_2, %add3A_28 : i32
    %dma_wait3A_30 = arith.constant 0 : i32
    %dma_wait3A_31 = tpu.memref_slice %arg4[%add3A_29, %dma_wait3A_30] : memref<271360x128xi32, #tpu.memory_space<hbm>> -> memref<40x128xi32, #tpu.memory_space<hbm>>
    %dma_wait3A_32 = arith.constant 0 : i32
    %dma_wait3A_33 = tpu.memref_slice %arg4[%add3A_29, %dma_wait3A_32] : memref<271360x128xi32, #tpu.memory_space<hbm>> -> memref<40x128xi32, #tpu.memory_space<hbm>>
    tpu.wait_dma2 semaphore(%arg14 : memref<!tpu.dma_semaphore, #tpu.memory_space<semaphore_mem>>) src(%arg6 : memref<40x128xi32, #tpu.memory_space<vmem>>) dst(%dma_wait3A_33 : memref<40x128xi32, #tpu.memory_space<hbm>>)
    %add3A_34 = arith.constant 8360 : i32
    %add3A_35 = arith.addi %mul3A_2, %add3A_34 : i32
    %dma_wait3A_36 = arith.constant 0 : i32
    %dma_wait3A_37 = tpu.memref_slice %arg4[%add3A_35, %dma_wait3A_36] : memref<271360x128xi32, #tpu.memory_space<hbm>> -> memref<40x128xi32, #tpu.memory_space<hbm>>
    %dma_wait3A_38 = arith.constant 0 : i32
    %dma_wait3A_39 = tpu.memref_slice %arg4[%add3A_35, %dma_wait3A_38] : memref<271360x128xi32, #tpu.memory_space<hbm>> -> memref<40x128xi32, #tpu.memory_space<hbm>>
    tpu.wait_dma2 semaphore(%arg15 : memref<!tpu.dma_semaphore, #tpu.memory_space<semaphore_mem>>) src(%arg7 : memref<40x128xi32, #tpu.memory_space<vmem>>) dst(%dma_wait3A_39 : memref<40x128xi32, #tpu.memory_space<hbm>>)
    %add3A_40 = arith.constant 8400 : i32
    %add3A_41 = arith.addi %mul3A_2, %add3A_40 : i32
    %dma_wait3A_42 = arith.constant 0 : i32
    %dma_wait3A_43 = tpu.memref_slice %arg4[%add3A_41, %dma_wait3A_42] : memref<271360x128xi32, #tpu.memory_space<hbm>> -> memref<40x128xi32, #tpu.memory_space<hbm>>
    %dma_wait3A_44 = arith.constant 0 : i32
    %dma_wait3A_45 = tpu.memref_slice %arg4[%add3A_41, %dma_wait3A_44] : memref<271360x128xi32, #tpu.memory_space<hbm>> -> memref<40x128xi32, #tpu.memory_space<hbm>>
    tpu.wait_dma2 semaphore(%arg16 : memref<!tpu.dma_semaphore, #tpu.memory_space<semaphore_mem>>) src(%arg8 : memref<40x128xi32, #tpu.memory_space<vmem>>) dst(%dma_wait3A_45 : memref<40x128xi32, #tpu.memory_space<hbm>>)
    %add3A_46 = arith.constant 8440 : i32
    %add3A_47 = arith.addi %mul3A_2, %add3A_46 : i32
    %dma_wait3A_48 = arith.constant 0 : i32
    %dma_wait3A_49 = tpu.memref_slice %arg4[%add3A_47, %dma_wait3A_48] : memref<271360x128xi32, #tpu.memory_space<hbm>> -> memref<40x128xi32, #tpu.memory_space<hbm>>
    %dma_wait3A_50 = arith.constant 0 : i32
    %dma_wait3A_51 = tpu.memref_slice %arg4[%add3A_47, %dma_wait3A_50] : memref<271360x128xi32, #tpu.memory_space<hbm>> -> memref<40x128xi32, #tpu.memory_space<hbm>>
    tpu.wait_dma2 semaphore(%arg17 : memref<!tpu.dma_semaphore, #tpu.memory_space<semaphore_mem>>) src(%arg9 : memref<40x128xi32, #tpu.memory_space<vmem>>) dst(%dma_wait3A_51 : memref<40x128xi32, #tpu.memory_space<hbm>>)
    return
  }
}

#map = affine_map<(d0, d1) -> (0, 0)>
#map1 = affine_map<(d0, d1) -> (0)>
module attributes {stable_mosaic.version = 14 : i64} {
  func.func @gk(%arg0: i32, %arg1: i32, %arg2: memref<20000x128xi32, #tpu.memory_space<hbm>>, %arg3: memref<271360xi32, #tpu.memory_space<hbm>>, %arg4: memref<271360x128xi32, #tpu.memory_space<hbm>>, %arg5: memref<8480xi32, #tpu.memory_space<vmem>>, %arg6: memref<40x128xi32, #tpu.memory_space<vmem>>, %arg7: memref<40x128xi32, #tpu.memory_space<vmem>>, %arg8: memref<40x128xi32, #tpu.memory_space<vmem>>, %arg9: memref<40x128xi32, #tpu.memory_space<vmem>>, %arg10: memref<!tpu.dma_semaphore, #tpu.memory_space<semaphore_mem>>, %arg11: memref<!tpu.dma_semaphore, #tpu.memory_space<semaphore_mem>>, %arg12: memref<!tpu.dma_semaphore, #tpu.memory_space<semaphore_mem>>, %arg13: memref<!tpu.dma_semaphore, #tpu.memory_space<semaphore_mem>>, %arg14: memref<!tpu.dma_semaphore, #tpu.memory_space<semaphore_mem>>, %arg15: memref<!tpu.dma_semaphore, #tpu.memory_space<semaphore_mem>>, %arg16: memref<!tpu.dma_semaphore, #tpu.memory_space<semaphore_mem>>, %arg17: memref<!tpu.dma_semaphore, #tpu.memory_space<semaphore_mem>>) attributes {dimension_semantics = [#tpu.dimension_semantics<core_parallel>, #tpu.dimension_semantics<subcore_parallel>], iteration_bounds = array<i64: 2, 16>, scalar_prefetch = 0 : i64, scratch_operands = 13 : i64, tpu.core_type = #tpu.core_type<sc_vector_subcore>, window_params = [{transform_indices = #map}, {transform_indices = #map1}, {transform_indices = #map}]} {
    %mul3A = arith.constant 2 : i32
    %mul3A_0 = arith.muli %arg1, %mul3A : i32
    %add3A = arith.addi %mul3A_0, %arg0 : i32
    %mul3A_1 = arith.constant 8480 : i32
    %mul3A_2 = arith.muli %add3A, %mul3A_1 : i32
    "tpu.region"() ({
      %run_scoped3A = tpu.sem_alloc : memref<!tpu.dma_semaphore, #tpu.memory_space<semaphore_mem>>
      %dma_start3A_52 = tpu.memref_slice %arg3[%mul3A_2] : memref<271360xi32, #tpu.memory_space<hbm>> -> memref<8480xi32, #tpu.memory_space<hbm>>
      %dma_start3A_53 = tpu.memref_slice %arg3[%mul3A_2] : memref<271360xi32, #tpu.memory_space<hbm>> -> memref<8480xi32, #tpu.memory_space<hbm>>
      tpu.enqueue_dma source(%dma_start3A_53 : memref<8480xi32, #tpu.memory_space<hbm>>) target(%arg5 : memref<8480xi32, #tpu.memory_space<vmem>>) target_semaphore(%run_scoped3A : memref<!tpu.dma_semaphore, #tpu.memory_space<semaphore_mem>>)
      %dma_wait3A_54 = tpu.memref_slice %arg3[%mul3A_2] : memref<271360xi32, #tpu.memory_space<hbm>> -> memref<8480xi32, #tpu.memory_space<hbm>>
      %dma_wait3A_55 = tpu.memref_slice %arg3[%mul3A_2] : memref<271360xi32, #tpu.memory_space<hbm>> -> memref<8480xi32, #tpu.memory_space<hbm>>
      tpu.wait_dma2 semaphore(%run_scoped3A : memref<!tpu.dma_semaphore, #tpu.memory_space<semaphore_mem>>) src(%dma_wait3A_55 : memref<8480xi32, #tpu.memory_space<hbm>>) dst(%arg5 : memref<8480xi32, #tpu.memory_space<vmem>>)
      tpu.yield
    }) : () -> ()
    %scan3A = arith.constant 0 : i32
    %scan3A_3 = arith.constant 0 : i32
    %scan3A_4 = arith.constant 53 : i32
    %scan3A_5 = arith.addi %scan3A_3, %scan3A_4 : i32
    %scan3A_6 = arith.constant 1 : i32
    scf.for %scan3A_52 = %scan3A_3 to %scan3A_5 step %scan3A_6  : i32 {
      %mul3A_53 = arith.constant 4 : i32
      %mul3A_54 = arith.muli %mul3A_53, %scan3A_52 : i32
      %add3A_55 = arith.constant 0 : i32
      %add3A_56 = arith.addi %mul3A_54, %add3A_55 : i32
      %gt3A = arith.constant 0 : i32
      %gt3A_57 = arith.cmpi sgt, %scan3A_52, %gt3A : i32
      %convert_element_type3A = arith.extui %gt3A_57 : i1 to i32
      %cond3A = arith.constant 0 : i32
      %cond3A_58 = arith.cmpi ne, %convert_element_type3A, %cond3A : i32
      scf.if %cond3A_58 {
        %sub3A = arith.constant 4 : i32
        %sub3A_129 = arith.subi %add3A_56, %sub3A : i32
        %mul3A_130 = arith.constant 40 : i32
        %mul3A_131 = arith.muli %sub3A_129, %mul3A_130 : i32
        %add3A_132 = arith.addi %mul3A_2, %mul3A_131 : i32
        %dma_wait3A_133 = arith.constant 0 : i32
        %dma_wait3A_134 = tpu.memref_slice %arg4[%add3A_132, %dma_wait3A_133] : memref<271360x128xi32, #tpu.memory_space<hbm>> -> memref<40x128xi32, #tpu.memory_space<hbm>>
        %dma_wait3A_135 = arith.constant 0 : i32
        %dma_wait3A_136 = tpu.memref_slice %arg4[%add3A_132, %dma_wait3A_135] : memref<271360x128xi32, #tpu.memory_space<hbm>> -> memref<40x128xi32, #tpu.memory_space<hbm>>
        tpu.wait_dma2 semaphore(%arg14 : memref<!tpu.dma_semaphore, #tpu.memory_space<semaphore_mem>>) src(%arg6 : memref<40x128xi32, #tpu.memory_space<vmem>>) dst(%dma_wait3A_136 : memref<40x128xi32, #tpu.memory_space<hbm>>)
      } else {
      }
      %mul3A_59 = arith.constant 40 : i32
      %mul3A_60 = arith.muli %add3A_56, %mul3A_59 : i32
      %dma_start3A_61 = tpu.memref_slice %arg5[%mul3A_60] : memref<8480xi32, #tpu.memory_space<vmem>> -> memref<40xi32, #tpu.memory_space<vmem>>
      %dma_start3A_62 = arith.constant 0 : i32
      %dma_start3A_63 = arith.constant 0 : i32
      %dma_start3A_64 = tpu.memref_slice %arg2[%dma_start3A_62, %dma_start3A_63] : memref<20000x128xi32, #tpu.memory_space<hbm>> -> memref<20000x128xi32, #tpu.memory_space<hbm>>
      tpu.enqueue_indirect_dma source(%dma_start3A_64 : memref<20000x128xi32, #tpu.memory_space<hbm>>) target(%arg6 : memref<40x128xi32, #tpu.memory_space<vmem>>) offsets(%dma_start3A_61 : memref<40xi32, #tpu.memory_space<vmem>>) semaphore(%arg10 : memref<!tpu.dma_semaphore, #tpu.memory_space<semaphore_mem>>)
      %ge3A = arith.constant 2 : i32
      %ge3A_65 = arith.cmpi sge, %add3A_56, %ge3A : i32
      %convert_element_type3A_66 = arith.extui %ge3A_65 : i1 to i32
      %cond3A_67 = arith.constant 0 : i32
      %cond3A_68 = arith.cmpi ne, %convert_element_type3A_66, %cond3A_67 : i32
      scf.if %cond3A_68 {
        %sub3A = arith.constant 2 : i32
        %sub3A_129 = arith.subi %add3A_56, %sub3A : i32
        %mul3A_130 = arith.constant 40 : i32
        %mul3A_131 = arith.muli %sub3A_129, %mul3A_130 : i32
        %dma_wait3A_132 = tpu.memref_slice %arg5[%mul3A_131] : memref<8480xi32, #tpu.memory_space<vmem>> -> memref<40xi32, #tpu.memory_space<vmem>>
        %dma_wait3A_133 = arith.constant 0 : i32
        %dma_wait3A_134 = arith.constant 0 : i32
        %dma_wait3A_135 = tpu.memref_slice %arg2[%dma_wait3A_133, %dma_wait3A_134] : memref<20000x128xi32, #tpu.memory_space<hbm>> -> memref<20000x128xi32, #tpu.memory_space<hbm>>
        tpu.wait_indirect_dma semaphore(%arg12 : memref<!tpu.dma_semaphore, #tpu.memory_space<semaphore_mem>>) src(%dma_wait3A_135 : memref<20000x128xi32, #tpu.memory_space<hbm>>) dst(%arg8 : memref<40x128xi32, #tpu.memory_space<vmem>>)
        %sub3A_136 = arith.constant 2 : i32
        %sub3A_137 = arith.subi %add3A_56, %sub3A_136 : i32
        %mul3A_138 = arith.constant 40 : i32
        %mul3A_139 = arith.muli %sub3A_137, %mul3A_138 : i32
        %add3A_140 = arith.addi %mul3A_2, %mul3A_139 : i32
        %dma_start3A_141 = arith.constant 0 : i32
        %dma_start3A_142 = tpu.memref_slice %arg4[%add3A_140, %dma_start3A_141] : memref<271360x128xi32, #tpu.memory_space<hbm>> -> memref<40x128xi32, #tpu.memory_space<hbm>>
        %dma_start3A_143 = arith.constant 0 : i32
        %dma_start3A_144 = tpu.memref_slice %arg4[%add3A_140, %dma_start3A_143] : memref<271360x128xi32, #tpu.memory_space<hbm>> -> memref<40x128xi32, #tpu.memory_space<hbm>>
        tpu.enqueue_dma source(%arg8 : memref<40x128xi32, #tpu.memory_space<vmem>>) target(%dma_start3A_144 : memref<40x128xi32, #tpu.memory_space<hbm>>) target_semaphore(%arg16 : memref<!tpu.dma_semaphore, #tpu.memory_space<semaphore_mem>>)
      } else {
      }
      %mul3A_69 = arith.constant 4 : i32
      %mul3A_70 = arith.muli %mul3A_69, %scan3A_52 : i32
      %add3A_71 = arith.constant 1 : i32
      %add3A_72 = arith.addi %mul3A_70, %add3A_71 : i32
      %gt3A_73 = arith.constant 0 : i32
      %gt3A_74 = arith.cmpi sgt, %scan3A_52, %gt3A_73 : i32
      %convert_element_type3A_75 = arith.extui %gt3A_74 : i1 to i32
      %cond3A_76 = arith.constant 0 : i32
      %cond3A_77 = arith.cmpi ne, %convert_element_type3A_75, %cond3A_76 : i32
      scf.if %cond3A_77 {
        %sub3A = arith.constant 4 : i32
        %sub3A_129 = arith.subi %add3A_72, %sub3A : i32
        %mul3A_130 = arith.constant 40 : i32
        %mul3A_131 = arith.muli %sub3A_129, %mul3A_130 : i32
        %add3A_132 = arith.addi %mul3A_2, %mul3A_131 : i32
        %dma_wait3A_133 = arith.constant 0 : i32
        %dma_wait3A_134 = tpu.memref_slice %arg4[%add3A_132, %dma_wait3A_133] : memref<271360x128xi32, #tpu.memory_space<hbm>> -> memref<40x128xi32, #tpu.memory_space<hbm>>
        %dma_wait3A_135 = arith.constant 0 : i32
        %dma_wait3A_136 = tpu.memref_slice %arg4[%add3A_132, %dma_wait3A_135] : memref<271360x128xi32, #tpu.memory_space<hbm>> -> memref<40x128xi32, #tpu.memory_space<hbm>>
        tpu.wait_dma2 semaphore(%arg15 : memref<!tpu.dma_semaphore, #tpu.memory_space<semaphore_mem>>) src(%arg7 : memref<40x128xi32, #tpu.memory_space<vmem>>) dst(%dma_wait3A_136 : memref<40x128xi32, #tpu.memory_space<hbm>>)
      } else {
      }
      %mul3A_78 = arith.constant 40 : i32
      %mul3A_79 = arith.muli %add3A_72, %mul3A_78 : i32
      %dma_start3A_80 = tpu.memref_slice %arg5[%mul3A_79] : memref<8480xi32, #tpu.memory_space<vmem>> -> memref<40xi32, #tpu.memory_space<vmem>>
      %dma_start3A_81 = arith.constant 0 : i32
      %dma_start3A_82 = arith.constant 0 : i32
      %dma_start3A_83 = tpu.memref_slice %arg2[%dma_start3A_81, %dma_start3A_82] : memref<20000x128xi32, #tpu.memory_space<hbm>> -> memref<20000x128xi32, #tpu.memory_space<hbm>>
      tpu.enqueue_indirect_dma source(%dma_start3A_83 : memref<20000x128xi32, #tpu.memory_space<hbm>>) target(%arg7 : memref<40x128xi32, #tpu.memory_space<vmem>>) offsets(%dma_start3A_80 : memref<40xi32, #tpu.memory_space<vmem>>) semaphore(%arg11 : memref<!tpu.dma_semaphore, #tpu.memory_space<semaphore_mem>>)
      %ge3A_84 = arith.constant 2 : i32
      %ge3A_85 = arith.cmpi sge, %add3A_72, %ge3A_84 : i32
      %convert_element_type3A_86 = arith.extui %ge3A_85 : i1 to i32
      %cond3A_87 = arith.constant 0 : i32
      %cond3A_88 = arith.cmpi ne, %convert_element_type3A_86, %cond3A_87 : i32
      scf.if %cond3A_88 {
        %sub3A = arith.constant 2 : i32
        %sub3A_129 = arith.subi %add3A_72, %sub3A : i32
        %mul3A_130 = arith.constant 40 : i32
        %mul3A_131 = arith.muli %sub3A_129, %mul3A_130 : i32
        %dma_wait3A_132 = tpu.memref_slice %arg5[%mul3A_131] : memref<8480xi32, #tpu.memory_space<vmem>> -> memref<40xi32, #tpu.memory_space<vmem>>
        %dma_wait3A_133 = arith.constant 0 : i32
        %dma_wait3A_134 = arith.constant 0 : i32
        %dma_wait3A_135 = tpu.memref_slice %arg2[%dma_wait3A_133, %dma_wait3A_134] : memref<20000x128xi32, #tpu.memory_space<hbm>> -> memref<20000x128xi32, #tpu.memory_space<hbm>>
        tpu.wait_indirect_dma semaphore(%arg13 : memref<!tpu.dma_semaphore, #tpu.memory_space<semaphore_mem>>) src(%dma_wait3A_135 : memref<20000x128xi32, #tpu.memory_space<hbm>>) dst(%arg9 : memref<40x128xi32, #tpu.memory_space<vmem>>)
        %sub3A_136 = arith.constant 2 : i32
        %sub3A_137 = arith.subi %add3A_72, %sub3A_136 : i32
        %mul3A_138 = arith.constant 40 : i32
        %mul3A_139 = arith.muli %sub3A_137, %mul3A_138 : i32
        %add3A_140 = arith.addi %mul3A_2, %mul3A_139 : i32
        %dma_start3A_141 = arith.constant 0 : i32
        %dma_start3A_142 = tpu.memref_slice %arg4[%add3A_140, %dma_start3A_141] : memref<271360x128xi32, #tpu.memory_space<hbm>> -> memref<40x128xi32, #tpu.memory_space<hbm>>
        %dma_start3A_143 = arith.constant 0 : i32
        %dma_start3A_144 = tpu.memref_slice %arg4[%add3A_140, %dma_start3A_143] : memref<271360x128xi32, #tpu.memory_space<hbm>> -> memref<40x128xi32, #tpu.memory_space<hbm>>
        tpu.enqueue_dma source(%arg9 : memref<40x128xi32, #tpu.memory_space<vmem>>) target(%dma_start3A_144 : memref<40x128xi32, #tpu.memory_space<hbm>>) target_semaphore(%arg17 : memref<!tpu.dma_semaphore, #tpu.memory_space<semaphore_mem>>)
      } else {
      }
      %mul3A_89 = arith.constant 4 : i32
      %mul3A_90 = arith.muli %mul3A_89, %scan3A_52 : i32
      %add3A_91 = arith.constant 2 : i32
      %add3A_92 = arith.addi %mul3A_90, %add3A_91 : i32
      %gt3A_93 = arith.constant 0 : i32
      %gt3A_94 = arith.cmpi sgt, %scan3A_52, %gt3A_93 : i32
      %convert_element_type3A_95 = arith.extui %gt3A_94 : i1 to i32
      %cond3A_96 = arith.constant 0 : i32
      %cond3A_97 = arith.cmpi ne, %convert_element_type3A_95, %cond3A_96 : i32
      scf.if %cond3A_97 {
        %sub3A = arith.constant 4 : i32
        %sub3A_129 = arith.subi %add3A_92, %sub3A : i32
        %mul3A_130 = arith.constant 40 : i32
        %mul3A_131 = arith.muli %sub3A_129, %mul3A_130 : i32
        %add3A_132 = arith.addi %mul3A_2, %mul3A_131 : i32
        %dma_wait3A_133 = arith.constant 0 : i32
        %dma_wait3A_134 = tpu.memref_slice %arg4[%add3A_132, %dma_wait3A_133] : memref<271360x128xi32, #tpu.memory_space<hbm>> -> memref<40x128xi32, #tpu.memory_space<hbm>>
        %dma_wait3A_135 = arith.constant 0 : i32
        %dma_wait3A_136 = tpu.memref_slice %arg4[%add3A_132, %dma_wait3A_135] : memref<271360x128xi32, #tpu.memory_space<hbm>> -> memref<40x128xi32, #tpu.memory_space<hbm>>
        tpu.wait_dma2 semaphore(%arg16 : memref<!tpu.dma_semaphore, #tpu.memory_space<semaphore_mem>>) src(%arg8 : memref<40x128xi32, #tpu.memory_space<vmem>>) dst(%dma_wait3A_136 : memref<40x128xi32, #tpu.memory_space<hbm>>)
      } else {
      }
      %mul3A_98 = arith.constant 40 : i32
      %mul3A_99 = arith.muli %add3A_92, %mul3A_98 : i32
      %dma_start3A_100 = tpu.memref_slice %arg5[%mul3A_99] : memref<8480xi32, #tpu.memory_space<vmem>> -> memref<40xi32, #tpu.memory_space<vmem>>
      %dma_start3A_101 = arith.constant 0 : i32
      %dma_start3A_102 = arith.constant 0 : i32
      %dma_start3A_103 = tpu.memref_slice %arg2[%dma_start3A_101, %dma_start3A_102] : memref<20000x128xi32, #tpu.memory_space<hbm>> -> memref<20000x128xi32, #tpu.memory_space<hbm>>
      tpu.enqueue_indirect_dma source(%dma_start3A_103 : memref<20000x128xi32, #tpu.memory_space<hbm>>) target(%arg8 : memref<40x128xi32, #tpu.memory_space<vmem>>) offsets(%dma_start3A_100 : memref<40xi32, #tpu.memory_space<vmem>>) semaphore(%arg12 : memref<!tpu.dma_semaphore, #tpu.memory_space<semaphore_mem>>)
      %ge3A_104 = arith.constant 2 : i32
      %ge3A_105 = arith.cmpi sge, %add3A_92, %ge3A_104 : i32
      %convert_element_type3A_106 = arith.extui %ge3A_105 : i1 to i32
      %cond3A_107 = arith.constant 0 : i32
      %cond3A_108 = arith.cmpi ne, %convert_element_type3A_106, %cond3A_107 : i32
      scf.if %cond3A_108 {
        %sub3A = arith.constant 2 : i32
        %sub3A_129 = arith.subi %add3A_92, %sub3A : i32
        %mul3A_130 = arith.constant 40 : i32
        %mul3A_131 = arith.muli %sub3A_129, %mul3A_130 : i32
        %dma_wait3A_132 = tpu.memref_slice %arg5[%mul3A_131] : memref<8480xi32, #tpu.memory_space<vmem>> -> memref<40xi32, #tpu.memory_space<vmem>>
        %dma_wait3A_133 = arith.constant 0 : i32
        %dma_wait3A_134 = arith.constant 0 : i32
        %dma_wait3A_135 = tpu.memref_slice %arg2[%dma_wait3A_133, %dma_wait3A_134] : memref<20000x128xi32, #tpu.memory_space<hbm>> -> memref<20000x128xi32, #tpu.memory_space<hbm>>
        tpu.wait_indirect_dma semaphore(%arg10 : memref<!tpu.dma_semaphore, #tpu.memory_space<semaphore_mem>>) src(%dma_wait3A_135 : memref<20000x128xi32, #tpu.memory_space<hbm>>) dst(%arg6 : memref<40x128xi32, #tpu.memory_space<vmem>>)
        %sub3A_136 = arith.constant 2 : i32
        %sub3A_137 = arith.subi %add3A_92, %sub3A_136 : i32
        %mul3A_138 = arith.constant 40 : i32
        %mul3A_139 = arith.muli %sub3A_137, %mul3A_138 : i32
        %add3A_140 = arith.addi %mul3A_2, %mul3A_139 : i32
        %dma_start3A_141 = arith.constant 0 : i32
        %dma_start3A_142 = tpu.memref_slice %arg4[%add3A_140, %dma_start3A_141] : memref<271360x128xi32, #tpu.memory_space<hbm>> -> memref<40x128xi32, #tpu.memory_space<hbm>>
        %dma_start3A_143 = arith.constant 0 : i32
        %dma_start3A_144 = tpu.memref_slice %arg4[%add3A_140, %dma_start3A_143] : memref<271360x128xi32, #tpu.memory_space<hbm>> -> memref<40x128xi32, #tpu.memory_space<hbm>>
        tpu.enqueue_dma source(%arg6 : memref<40x128xi32, #tpu.memory_space<vmem>>) target(%dma_start3A_144 : memref<40x128xi32, #tpu.memory_space<hbm>>) target_semaphore(%arg14 : memref<!tpu.dma_semaphore, #tpu.memory_space<semaphore_mem>>)
      } else {
      }
      %mul3A_109 = arith.constant 4 : i32
      %mul3A_110 = arith.muli %mul3A_109, %scan3A_52 : i32
      %add3A_111 = arith.constant 3 : i32
      %add3A_112 = arith.addi %mul3A_110, %add3A_111 : i32
      %gt3A_113 = arith.constant 0 : i32
      %gt3A_114 = arith.cmpi sgt, %scan3A_52, %gt3A_113 : i32
      %convert_element_type3A_115 = arith.extui %gt3A_114 : i1 to i32
      %cond3A_116 = arith.constant 0 : i32
      %cond3A_117 = arith.cmpi ne, %convert_element_type3A_115, %cond3A_116 : i32
      scf.if %cond3A_117 {
        %sub3A = arith.constant 4 : i32
        %sub3A_129 = arith.subi %add3A_112, %sub3A : i32
        %mul3A_130 = arith.constant 40 : i32
        %mul3A_131 = arith.muli %sub3A_129, %mul3A_130 : i32
        %add3A_132 = arith.addi %mul3A_2, %mul3A_131 : i32
        %dma_wait3A_133 = arith.constant 0 : i32
        %dma_wait3A_134 = tpu.memref_slice %arg4[%add3A_132, %dma_wait3A_133] : memref<271360x128xi32, #tpu.memory_space<hbm>> -> memref<40x128xi32, #tpu.memory_space<hbm>>
        %dma_wait3A_135 = arith.constant 0 : i32
        %dma_wait3A_136 = tpu.memref_slice %arg4[%add3A_132, %dma_wait3A_135] : memref<271360x128xi32, #tpu.memory_space<hbm>> -> memref<40x128xi32, #tpu.memory_space<hbm>>
        tpu.wait_dma2 semaphore(%arg17 : memref<!tpu.dma_semaphore, #tpu.memory_space<semaphore_mem>>) src(%arg9 : memref<40x128xi32, #tpu.memory_space<vmem>>) dst(%dma_wait3A_136 : memref<40x128xi32, #tpu.memory_space<hbm>>)
      } else {
      }
      %mul3A_118 = arith.constant 40 : i32
      %mul3A_119 = arith.muli %add3A_112, %mul3A_118 : i32
      %dma_start3A_120 = tpu.memref_slice %arg5[%mul3A_119] : memref<8480xi32, #tpu.memory_space<vmem>> -> memref<40xi32, #tpu.memory_space<vmem>>
      %dma_start3A_121 = arith.constant 0 : i32
      %dma_start3A_122 = arith.constant 0 : i32
      %dma_start3A_123 = tpu.memref_slice %arg2[%dma_start3A_121, %dma_start3A_122] : memref<20000x128xi32, #tpu.memory_space<hbm>> -> memref<20000x128xi32, #tpu.memory_space<hbm>>
      tpu.enqueue_indirect_dma source(%dma_start3A_123 : memref<20000x128xi32, #tpu.memory_space<hbm>>) target(%arg9 : memref<40x128xi32, #tpu.memory_space<vmem>>) offsets(%dma_start3A_120 : memref<40xi32, #tpu.memory_space<vmem>>) semaphore(%arg13 : memref<!tpu.dma_semaphore, #tpu.memory_space<semaphore_mem>>)
      %ge3A_124 = arith.constant 2 : i32
      %ge3A_125 = arith.cmpi sge, %add3A_112, %ge3A_124 : i32
      %convert_element_type3A_126 = arith.extui %ge3A_125 : i1 to i32
      %cond3A_127 = arith.constant 0 : i32
      %cond3A_128 = arith.cmpi ne, %convert_element_type3A_126, %cond3A_127 : i32
      scf.if %cond3A_128 {
        %sub3A = arith.constant 2 : i32
        %sub3A_129 = arith.subi %add3A_112, %sub3A : i32
        %mul3A_130 = arith.constant 40 : i32
        %mul3A_131 = arith.muli %sub3A_129, %mul3A_130 : i32
        %dma_wait3A_132 = tpu.memref_slice %arg5[%mul3A_131] : memref<8480xi32, #tpu.memory_space<vmem>> -> memref<40xi32, #tpu.memory_space<vmem>>
        %dma_wait3A_133 = arith.constant 0 : i32
        %dma_wait3A_134 = arith.constant 0 : i32
        %dma_wait3A_135 = tpu.memref_slice %arg2[%dma_wait3A_133, %dma_wait3A_134] : memref<20000x128xi32, #tpu.memory_space<hbm>> -> memref<20000x128xi32, #tpu.memory_space<hbm>>
        tpu.wait_indirect_dma semaphore(%arg11 : memref<!tpu.dma_semaphore, #tpu.memory_space<semaphore_mem>>) src(%dma_wait3A_135 : memref<20000x128xi32, #tpu.memory_space<hbm>>) dst(%arg7 : memref<40x128xi32, #tpu.memory_space<vmem>>)
        %sub3A_136 = arith.constant 2 : i32
        %sub3A_137 = arith.subi %add3A_112, %sub3A_136 : i32
        %mul3A_138 = arith.constant 40 : i32
        %mul3A_139 = arith.muli %sub3A_137, %mul3A_138 : i32
        %add3A_140 = arith.addi %mul3A_2, %mul3A_139 : i32
        %dma_start3A_141 = arith.constant 0 : i32
        %dma_start3A_142 = tpu.memref_slice %arg4[%add3A_140, %dma_start3A_141] : memref<271360x128xi32, #tpu.memory_space<hbm>> -> memref<40x128xi32, #tpu.memory_space<hbm>>
        %dma_start3A_143 = arith.constant 0 : i32
        %dma_start3A_144 = tpu.memref_slice %arg4[%add3A_140, %dma_start3A_143] : memref<271360x128xi32, #tpu.memory_space<hbm>> -> memref<40x128xi32, #tpu.memory_space<hbm>>
        tpu.enqueue_dma source(%arg7 : memref<40x128xi32, #tpu.memory_space<vmem>>) target(%dma_start3A_144 : memref<40x128xi32, #tpu.memory_space<hbm>>) target_semaphore(%arg15 : memref<!tpu.dma_semaphore, #tpu.memory_space<semaphore_mem>>)
      } else {
      }
    }
    %scan3A_7 = arith.constant 53 : i32
    %dma_wait3A = arith.constant 8400 : i32
    %dma_wait3A_8 = tpu.memref_slice %arg5[%dma_wait3A] : memref<8480xi32, #tpu.memory_space<vmem>> -> memref<40xi32, #tpu.memory_space<vmem>>
    %dma_wait3A_9 = arith.constant 0 : i32
    %dma_wait3A_10 = arith.constant 0 : i32
    %dma_wait3A_11 = tpu.memref_slice %arg2[%dma_wait3A_9, %dma_wait3A_10] : memref<20000x128xi32, #tpu.memory_space<hbm>> -> memref<20000x128xi32, #tpu.memory_space<hbm>>
    tpu.wait_indirect_dma semaphore(%arg12 : memref<!tpu.dma_semaphore, #tpu.memory_space<semaphore_mem>>) src(%dma_wait3A_11 : memref<20000x128xi32, #tpu.memory_space<hbm>>) dst(%arg8 : memref<40x128xi32, #tpu.memory_space<vmem>>)
    %add3A_12 = arith.constant 8400 : i32
    %add3A_13 = arith.addi %mul3A_2, %add3A_12 : i32
    %dma_start3A = arith.constant 0 : i32
    %dma_start3A_14 = tpu.memref_slice %arg4[%add3A_13, %dma_start3A] : memref<271360x128xi32, #tpu.memory_space<hbm>> -> memref<40x128xi32, #tpu.memory_space<hbm>>
    %dma_start3A_15 = arith.constant 0 : i32
    %dma_start3A_16 = tpu.memref_slice %arg4[%add3A_13, %dma_start3A_15] : memref<271360x128xi32, #tpu.memory_space<hbm>> -> memref<40x128xi32, #tpu.memory_space<hbm>>
    tpu.enqueue_dma source(%arg8 : memref<40x128xi32, #tpu.memory_space<vmem>>) target(%dma_start3A_16 : memref<40x128xi32, #tpu.memory_space<hbm>>) target_semaphore(%arg16 : memref<!tpu.dma_semaphore, #tpu.memory_space<semaphore_mem>>)
    %dma_wait3A_17 = arith.constant 8440 : i32
    %dma_wait3A_18 = tpu.memref_slice %arg5[%dma_wait3A_17] : memref<8480xi32, #tpu.memory_space<vmem>> -> memref<40xi32, #tpu.memory_space<vmem>>
    %dma_wait3A_19 = arith.constant 0 : i32
    %dma_wait3A_20 = arith.constant 0 : i32
    %dma_wait3A_21 = tpu.memref_slice %arg2[%dma_wait3A_19, %dma_wait3A_20] : memref<20000x128xi32, #tpu.memory_space<hbm>> -> memref<20000x128xi32, #tpu.memory_space<hbm>>
    tpu.wait_indirect_dma semaphore(%arg13 : memref<!tpu.dma_semaphore, #tpu.memory_space<semaphore_mem>>) src(%dma_wait3A_21 : memref<20000x128xi32, #tpu.memory_space<hbm>>) dst(%arg9 : memref<40x128xi32, #tpu.memory_space<vmem>>)
    %add3A_22 = arith.constant 8440 : i32
    %add3A_23 = arith.addi %mul3A_2, %add3A_22 : i32
    %dma_start3A_24 = arith.constant 0 : i32
    %dma_start3A_25 = tpu.memref_slice %arg4[%add3A_23, %dma_start3A_24] : memref<271360x128xi32, #tpu.memory_space<hbm>> -> memref<40x128xi32, #tpu.memory_space<hbm>>
    %dma_start3A_26 = arith.constant 0 : i32
    %dma_start3A_27 = tpu.memref_slice %arg4[%add3A_23, %dma_start3A_26] : memref<271360x128xi32, #tpu.memory_space<hbm>> -> memref<40x128xi32, #tpu.memory_space<hbm>>
    tpu.enqueue_dma source(%arg9 : memref<40x128xi32, #tpu.memory_space<vmem>>) target(%dma_start3A_27 : memref<40x128xi32, #tpu.memory_space<hbm>>) target_semaphore(%arg17 : memref<!tpu.dma_semaphore, #tpu.memory_space<semaphore_mem>>)
    %add3A_28 = arith.constant 8320 : i32
    %add3A_29 = arith.addi %mul3A_2, %add3A_28 : i32
    %dma_wait3A_30 = arith.constant 0 : i32
    %dma_wait3A_31 = tpu.memref_slice %arg4[%add3A_29, %dma_wait3A_30] : memref<271360x128xi32, #tpu.memory_space<hbm>> -> memref<40x128xi32, #tpu.memory_space<hbm>>
    %dma_wait3A_32 = arith.constant 0 : i32
    %dma_wait3A_33 = tpu.memref_slice %arg4[%add3A_29, %dma_wait3A_32] : memref<271360x128xi32, #tpu.memory_space<hbm>> -> memref<40x128xi32, #tpu.memory_space<hbm>>
    tpu.wait_dma2 semaphore(%arg14 : memref<!tpu.dma_semaphore, #tpu.memory_space<semaphore_mem>>) src(%arg6 : memref<40x128xi32, #tpu.memory_space<vmem>>) dst(%dma_wait3A_33 : memref<40x128xi32, #tpu.memory_space<hbm>>)
    %add3A_34 = arith.constant 8360 : i32
    %add3A_35 = arith.addi %mul3A_2, %add3A_34 : i32
    %dma_wait3A_36 = arith.constant 0 : i32
    %dma_wait3A_37 = tpu.memref_slice %arg4[%add3A_35, %dma_wait3A_36] : memref<271360x128xi32, #tpu.memory_space<hbm>> -> memref<40x128xi32, #tpu.memory_space<hbm>>
    %dma_wait3A_38 = arith.constant 0 : i32
    %dma_wait3A_39 = tpu.memref_slice %arg4[%add3A_35, %dma_wait3A_38] : memref<271360x128xi32, #tpu.memory_space<hbm>> -> memref<40x128xi32, #tpu.memory_space<hbm>>
    tpu.wait_dma2 semaphore(%arg15 : memref<!tpu.dma_semaphore, #tpu.memory_space<semaphore_mem>>) src(%arg7 : memref<40x128xi32, #tpu.memory_space<vmem>>) dst(%dma_wait3A_39 : memref<40x128xi32, #tpu.memory_space<hbm>>)
    %add3A_40 = arith.constant 8400 : i32
    %add3A_41 = arith.addi %mul3A_2, %add3A_40 : i32
    %dma_wait3A_42 = arith.constant 0 : i32
    %dma_wait3A_43 = tpu.memref_slice %arg4[%add3A_41, %dma_wait3A_42] : memref<271360x128xi32, #tpu.memory_space<hbm>> -> memref<40x128xi32, #tpu.memory_space<hbm>>
    %dma_wait3A_44 = arith.constant 0 : i32
    %dma_wait3A_45 = tpu.memref_slice %arg4[%add3A_41, %dma_wait3A_44] : memref<271360x128xi32, #tpu.memory_space<hbm>> -> memref<40x128xi32, #tpu.memory_space<hbm>>
    tpu.wait_dma2 semaphore(%arg16 : memref<!tpu.dma_semaphore, #tpu.memory_space<semaphore_mem>>) src(%arg8 : memref<40x128xi32, #tpu.memory_space<vmem>>) dst(%dma_wait3A_45 : memref<40x128xi32, #tpu.memory_space<hbm>>)
    %add3A_46 = arith.constant 8440 : i32
    %add3A_47 = arith.addi %mul3A_2, %add3A_46 : i32
    %dma_wait3A_48 = arith.constant 0 : i32
    %dma_wait3A_49 = tpu.memref_slice %arg4[%add3A_47, %dma_wait3A_48] : memref<271360x128xi32, #tpu.memory_space<hbm>> -> memref<40x128xi32, #tpu.memory_space<hbm>>
    %dma_wait3A_50 = arith.constant 0 : i32
    %dma_wait3A_51 = tpu.memref_slice %arg4[%add3A_47, %dma_wait3A_50] : memref<271360x128xi32, #tpu.memory_space<hbm>> -> memref<40x128xi32, #tpu.memory_space<hbm>>
    tpu.wait_dma2 semaphore(%arg17 : memref<!tpu.dma_semaphore, #tpu.memory_space<semaphore_mem>>) src(%arg9 : memref<40x128xi32, #tpu.memory_space<vmem>>) dst(%dma_wait3A_51 : memref<40x128xi32, #tpu.memory_space<hbm>>)
    return
  }
}

module attributes {stable_mosaic.version = 14 : i64} {
  func.func @_proj_body(%arg0: i32, %arg1: memref<2000x128xf32, #tpu.memory_space<vmem>>, %arg2: memref<128x384xf32, #tpu.memory_space<vmem>>, %arg3: memref<1x384xf32, #tpu.memory_space<vmem>>, %arg4: memref<2000x128xf32, #tpu.memory_space<vmem>>, %arg5: memref<2000x128xi32, #tpu.memory_space<vmem>>) attributes {dimension_semantics = [#tpu.dimension_semantics<arbitrary>], iteration_bounds = array<i64: 10>, scalar_prefetch = 0 : i64, scratch_operands = 0 : i64, tpu.core_type = #tpu.core_type<tc>, window_params = [{transform_indices = @transform_0, window_bounds = array<i64: 2000, 128>}, {pipeline_mode = #tpu.pipeline_mode<synchronous>, transform_indices = @transform_1, window_bounds = array<i64: 128, 384>}, {pipeline_mode = #tpu.pipeline_mode<synchronous>, transform_indices = @transform_2, window_bounds = array<i64: 1, 384>}, {transform_indices = @transform_3, window_bounds = array<i64: 2000, 128>}, {transform_indices = @transform_4, window_bounds = array<i64: 2000, 128>}]} {
    %get3A = arith.constant 0 : index
    %get3A_0 = arith.constant 0 : index
    %get3A_1 = vector.load %arg1[%get3A, %get3A_0] : memref<2000x128xf32, #tpu.memory_space<vmem>>, vector<2000x128xf32>
    %get3A_2 = arith.constant 0 : index
    %get3A_3 = arith.constant 0 : index
    %get3A_4 = vector.load %arg2[%get3A_2, %get3A_3] : memref<128x384xf32, #tpu.memory_space<vmem>>, vector<128x384xf32>
    %dot_general3A = arith.constant dense<0.000000e+00> : vector<2000x384xf32>
    %dot_general3A_5 = tpu.matmul %get3A_1, %get3A_4, %dot_general3A {dimension_numbers = #tpu.dot_dimension_numbers<[1], [0], [0], [1], [0, 0, 1, 1], [], []>, transpose_lhs_hint = false} : vector<2000x128xf32>, vector<128x384xf32>, vector<2000x384xf32> -> vector<2000x384xf32>
    %get3A_6 = arith.constant 0 : index
    %get3A_7 = arith.constant 0 : index
    %get3A_8 = vector.load %arg3[%get3A_6, %get3A_7] : memref<1x384xf32, #tpu.memory_space<vmem>>, vector<1x384xf32>
    %add3A = vector.broadcast %get3A_8 : vector<1x384xf32> to vector<2000x384xf32>
    %add3A_9 = arith.addf %dot_general3A_5, %add3A : vector<2000x384xf32>
    %slice3A = vector.extract_strided_slice %add3A_9 {offsets = [0, 0], sizes = [2000, 128], strides = [1, 1]} : vector<2000x384xf32> to vector<2000x128xf32>
    %swap3A = arith.constant 0 : index
    %swap3A_10 = arith.constant 0 : index
    %swap3A_11 = vector.load %arg4[%swap3A, %swap3A_10] : memref<2000x128xf32, #tpu.memory_space<vmem>>, vector<2000x128xf32>
    tpu.vector_store %arg4[%swap3A, %swap3A_10], %slice3A {strides = array<i32>} : memref<2000x128xf32, #tpu.memory_space<vmem>>, vector<2000x128xf32>,
    %slice3A_12 = vector.extract_strided_slice %add3A_9 {offsets = [0, 128], sizes = [2000, 128], strides = [1, 1]} : vector<2000x384xf32> to vector<2000x128xf32>
    %convert_element_type3A = arith.truncf %slice3A_12 : vector<2000x128xf32> to vector<2000x128xbf16>
    %convert_element_type3A_13 = arith.extf %convert_element_type3A : vector<2000x128xbf16> to vector<2000x128xf32>
    %slice3A_14 = vector.extract_strided_slice %add3A_9 {offsets = [0, 256], sizes = [2000, 128], strides = [1, 1]} : vector<2000x384xf32> to vector<2000x128xf32>
    %convert_element_type3A_15 = arith.truncf %slice3A_14 : vector<2000x128xf32> to vector<2000x128xbf16>
    %convert_element_type3A_16 = arith.extf %convert_element_type3A_15 : vector<2000x128xbf16> to vector<2000x128xf32>
    %bitcast_convert_type3A = tpu.bitcast %convert_element_type3A_13 : vector<2000x128xf32> -> vector<2000x128xi32>
    %shift_right_logical3A = arith.constant 16 : i32
    %shift_right_logical3A_17 = vector.broadcast %shift_right_logical3A : i32 to vector<2000x128xi32>
    %shift_right_logical3A_18 = arith.shrui %bitcast_convert_type3A, %shift_right_logical3A_17 : vector<2000x128xi32>
    %bitcast_convert_type3A_19 = tpu.bitcast %convert_element_type3A_16 : vector<2000x128xf32> -> vector<2000x128xi32>
    %and3A = arith.constant -65536 : i32
    %and3A_20 = vector.broadcast %and3A : i32 to vector<2000x128xi32>
    %and3A_21 = arith.andi %bitcast_convert_type3A_19, %and3A_20 : vector<2000x128xi32>
    %or3A = arith.ori %and3A_21, %shift_right_logical3A_18 : vector<2000x128xi32>
    %swap3A_22 = arith.constant 0 : index
    %swap3A_23 = arith.constant 0 : index
    %swap3A_24 = vector.load %arg5[%swap3A_22, %swap3A_23] : memref<2000x128xi32, #tpu.memory_space<vmem>>, vector<2000x128xi32>
    tpu.vector_store %arg5[%swap3A_22, %swap3A_23], %or3A {strides = array<i32>} : memref<2000x128xi32, #tpu.memory_space<vmem>>, vector<2000x128xi32>,
    return
  }
  func.func @transform_0(%arg0: i32) -> (i32, i32) {
    %c0_i32 = arith.constant 0 : i32
    %c0_i32_0 = arith.constant 0 : i32
    return %arg0, %c0_i32 : i32, i32
  }
  func.func @transform_1(%arg0: i32) -> (i32, i32) {
    %c0_i32 = arith.constant 0 : i32
    %c0_i32_0 = arith.constant 0 : i32
    %c0_i32_1 = arith.constant 0 : i32
    return %c0_i32, %c0_i32_0 : i32, i32
  }
  func.func @transform_2(%arg0: i32) -> (i32, i32) {
    %c0_i32 = arith.constant 0 : i32
    %c0_i32_0 = arith.constant 0 : i32
    %c0_i32_1 = arith.constant 0 : i32
    return %c0_i32, %c0_i32_0 : i32, i32
  }
  func.func @transform_3(%arg0: i32) -> (i32, i32) {
    %c0_i32 = arith.constant 0 : i32
    %c0_i32_0 = arith.constant 0 : i32
    return %arg0, %c0_i32 : i32, i32
  }
  func.func @transform_4(%arg0: i32) -> (i32, i32) {
    %c0_i32 = arith.constant 0 : i32
    %c0_i32_0 = arith.constant 0 : i32
    return %arg0, %c0_i32 : i32, i32
  }
}

module attributes {stable_mosaic.version = 14 : i64} {
  func.func @_rel_body(%arg0: memref<32x8xf32, #tpu.memory_space<vmem>>, %arg1: memref<8x8xf32, #tpu.memory_space<vmem>>, %arg2: memref<1x8xf32, #tpu.memory_space<vmem>>, %arg3: memref<8x128xf32, #tpu.memory_space<vmem>>, %arg4: memref<1x128xf32, #tpu.memory_space<vmem>>, %arg5: memref<32x128xf32, #tpu.memory_space<vmem>>) attributes {dimension_semantics = [], scalar_prefetch = 0 : i64, scratch_operands = 0 : i64, tpu.core_type = #tpu.core_type<tc>} {
    %get3A = arith.constant 0 : index
    %get3A_0 = arith.constant 0 : index
    %get3A_1 = vector.load %arg0[%get3A, %get3A_0] : memref<32x8xf32, #tpu.memory_space<vmem>>, vector<32x8xf32>
    %get3A_2 = arith.constant 0 : index
    %get3A_3 = arith.constant 0 : index
    %get3A_4 = vector.load %arg1[%get3A_2, %get3A_3] : memref<8x8xf32, #tpu.memory_space<vmem>>, vector<8x8xf32>
    %dot_general3A = arith.constant dense<0.000000e+00> : vector<32x8xf32>
    %dot_general3A_5 = tpu.matmul %get3A_1, %get3A_4, %dot_general3A {dimension_numbers = #tpu.dot_dimension_numbers<[1], [0], [0], [1], [0, 0, 1, 1], [], []>, transpose_lhs_hint = false} : vector<32x8xf32>, vector<8x8xf32>, vector<32x8xf32> -> vector<32x8xf32>
    %get3A_6 = arith.constant 0 : index
    %get3A_7 = arith.constant 0 : index
    %get3A_8 = vector.load %arg2[%get3A_6, %get3A_7] : memref<1x8xf32, #tpu.memory_space<vmem>>, vector<1x8xf32>
    %add3A = vector.broadcast %get3A_8 : vector<1x8xf32> to vector<32x8xf32>
    %add3A_9 = arith.addf %dot_general3A_5, %add3A : vector<32x8xf32>
    %max3A = arith.constant 0.000000e+00 : f32
    %max3A_10 = vector.broadcast %max3A : f32 to vector<32x8xf32>
    %max3A_11 = arith.maximumf %add3A_9, %max3A_10 : vector<32x8xf32>
    %get3A_12 = arith.constant 0 : index
    %get3A_13 = arith.constant 0 : index
    %get3A_14 = vector.load %arg3[%get3A_12, %get3A_13] : memref<8x128xf32, #tpu.memory_space<vmem>>, vector<8x128xf32>
    %dot_general3A_15 = arith.constant dense<0.000000e+00> : vector<32x128xf32>
    %dot_general3A_16 = tpu.matmul %max3A_11, %get3A_14, %dot_general3A_15 {dimension_numbers = #tpu.dot_dimension_numbers<[1], [0], [0], [1], [0, 0, 1, 1], [], []>, transpose_lhs_hint = false} : vector<32x8xf32>, vector<8x128xf32>, vector<32x128xf32> -> vector<32x128xf32>
    %get3A_17 = arith.constant 0 : index
    %get3A_18 = arith.constant 0 : index
    %get3A_19 = vector.load %arg4[%get3A_17, %get3A_18] : memref<1x128xf32, #tpu.memory_space<vmem>>, vector<1x128xf32>
    %add3A_20 = vector.broadcast %get3A_19 : vector<1x128xf32> to vector<32x128xf32>
    %add3A_21 = arith.addf %dot_general3A_16, %add3A_20 : vector<32x128xf32>
    %swap3A = arith.constant 0 : index
    %swap3A_22 = arith.constant 0 : index
    %swap3A_23 = vector.load %arg5[%swap3A, %swap3A_22] : memref<32x128xf32, #tpu.memory_space<vmem>>, vector<32x128xf32>
    tpu.vector_store %arg5[%swap3A, %swap3A_22], %add3A_21 {strides = array<i32>} : memref<32x128xf32, #tpu.memory_space<vmem>>, vector<32x128xf32>,
    return
  }
}

module attributes {stable_mosaic.version = 14 : i64} {
  func.func @_attn_body(%arg0: i32, %arg1: memref<5400x128xi32, #tpu.memory_space<vmem>>, %arg2: memref<200x128xf32, #tpu.memory_space<vmem>>, %arg3: memref<5400x128xf32, #tpu.memory_space<vmem>>, %arg4: memref<128x128xbf16, #tpu.memory_space<vmem>>, %arg5: memref<128x128xf32, #tpu.memory_space<vmem>>, %arg6: memref<1x128xf32, #tpu.memory_space<vmem>>, %arg7: memref<200x128xf32, #tpu.memory_space<vmem>>, %arg8: memref<1x128xf32, #tpu.memory_space<vmem>>, %arg9: memref<1x128xf32, #tpu.memory_space<vmem>>) attributes {dimension_semantics = [#tpu.dimension_semantics<arbitrary>], iteration_bounds = array<i64: 50>, scalar_prefetch = 0 : i64, scratch_operands = 0 : i64, tpu.core_type = #tpu.core_type<tc>, window_params = [{transform_indices = @transform_0, window_bounds = array<i64: 5400, 128>}, {transform_indices = @transform_1, window_bounds = array<i64: 200, 128>}, {pipeline_mode = #tpu.pipeline_mode<synchronous>, transform_indices = @transform_2, window_bounds = array<i64: 5400, 128>}, {pipeline_mode = #tpu.pipeline_mode<synchronous>, transform_indices = @transform_3, window_bounds = array<i64: 128, 128>}, {pipeline_mode = #tpu.pipeline_mode<synchronous>, transform_indices = @transform_4, window_bounds = array<i64: 128, 128>}, {pipeline_mode = #tpu.pipeline_mode<synchronous>, transform_indices = @transform_5, window_bounds = array<i64: 1, 128>}, {transform_indices = @transform_6, window_bounds = array<i64: 200, 128>}, {pipeline_mode = #tpu.pipeline_mode<synchronous>, transform_indices = @transform_7, window_bounds = array<i64: 1, 128>}, {pipeline_mode = #tpu.pipeline_mode<synchronous>, transform_indices = @transform_8, window_bounds = array<i64: 1, 128>}]} {
    %get3A = arith.constant 0 : index
    %get3A_0 = arith.constant 0 : index
    %get3A_1 = vector.load %arg1[%get3A, %get3A_0] : memref<5400x128xi32, #tpu.memory_space<vmem>>, vector<5400x128xi32>
    %shift_left3A = arith.constant 16 : i32
    %shift_left3A_2 = vector.broadcast %shift_left3A : i32 to vector<5400x128xi32>
    %shift_left3A_3 = arith.shli %get3A_1, %shift_left3A_2 : vector<5400x128xi32>
    %bitcast_convert_type3A = tpu.bitcast %shift_left3A_3 : vector<5400x128xi32> -> vector<5400x128xf32>
    %and3A = arith.constant -65536 : i32
    %and3A_4 = vector.broadcast %and3A : i32 to vector<5400x128xi32>
    %and3A_5 = arith.andi %get3A_1, %and3A_4 : vector<5400x128xi32>
    %bitcast_convert_type3A_6 = tpu.bitcast %and3A_5 : vector<5400x128xi32> -> vector<5400x128xf32>
    %get3A_7 = arith.constant 0 : index
    %get3A_8 = arith.constant 0 : index
    %get3A_9 = vector.load %arg2[%get3A_7, %get3A_8] : memref<200x128xf32, #tpu.memory_space<vmem>>, vector<200x128xf32>
    %broadcast_in_dim3A = vector.shape_cast %get3A_9 : vector<200x128xf32> to vector<200x1x128xf32>
    %broadcast_in_dim3A_10 = vector.shape_cast %broadcast_in_dim3A : vector<200x1x128xf32> to vector<200x1x128xf32>
    %broadcast_in_dim3A_11 = vector.broadcast %broadcast_in_dim3A_10 : vector<200x1x128xf32> to vector<200x27x128xf32>
    %reshape3A = vector.shape_cast %broadcast_in_dim3A_11 : vector<200x27x128xf32> to vector<5400x128xf32>
    %get3A_12 = arith.constant 0 : index
    %get3A_13 = arith.constant 0 : index
    %get3A_14 = vector.load %arg3[%get3A_12, %get3A_13] : memref<5400x128xf32, #tpu.memory_space<vmem>>, vector<5400x128xf32>
    %add3A = arith.addf %bitcast_convert_type3A, %get3A_14 : vector<5400x128xf32>
    %mul3A = arith.mulf %add3A, %reshape3A : vector<5400x128xf32>
    %convert_element_type3A = arith.truncf %mul3A : vector<5400x128xf32> to vector<5400x128xbf16>
    %get3A_15 = arith.constant 0 : index
    %get3A_16 = arith.constant 0 : index
    %get3A_17 = vector.load %arg4[%get3A_15, %get3A_16] : memref<128x128xbf16, #tpu.memory_space<vmem>>, vector<128x128xbf16>
    %dot_general3A = arith.constant dense<0.000000e+00> : vector<5400x128xf32>
    %dot_general3A_18 = tpu.matmul %convert_element_type3A, %get3A_17, %dot_general3A {dimension_numbers = #tpu.dot_dimension_numbers<[1], [0], [0], [1], [0, 0, 1, 1], [], []>, transpose_lhs_hint = false} : vector<5400x128xbf16>, vector<128x128xbf16>, vector<5400x128xf32> -> vector<5400x128xf32>
    %reshape3A_19 = vector.shape_cast %dot_general3A_18 : vector<5400x128xf32> to vector<200x27x128xf32>
    %exp3A = math.exp %reshape3A_19 : vector<200x27x128xf32>
    %reduce_sum3A = arith.constant dense<0.000000e+00> : vector<200x128xf32>
    %reduce_sum3A_20 = vector.multi_reduction <add>, %exp3A, %reduce_sum3A [1] : vector<200x27x128xf32> to vector<200x128xf32>
    %add3A_21 = arith.constant 1.000000e-16 : f32
    %add3A_22 = vector.broadcast %add3A_21 : f32 to vector<200x128xf32>
    %add3A_23 = arith.addf %reduce_sum3A_20, %add3A_22 : vector<200x128xf32>
    %reshape3A_24 = vector.shape_cast %bitcast_convert_type3A_6 : vector<5400x128xf32> to vector<200x27x128xf32>
    %mul3A_25 = arith.mulf %exp3A, %reshape3A_24 : vector<200x27x128xf32>
    %reduce_sum3A_26 = arith.constant dense<0.000000e+00> : vector<200x128xf32>
    %reduce_sum3A_27 = vector.multi_reduction <add>, %mul3A_25, %reduce_sum3A_26 [1] : vector<200x27x128xf32> to vector<200x128xf32>
    %div3A = arith.divf %reduce_sum3A_27, %add3A_23 : vector<200x128xf32>
    %get3A_28 = arith.constant 0 : index
    %get3A_29 = arith.constant 0 : index
    %get3A_30 = vector.load %arg5[%get3A_28, %get3A_29] : memref<128x128xf32, #tpu.memory_space<vmem>>, vector<128x128xf32>
    %dot_general3A_31 = arith.constant dense<0.000000e+00> : vector<200x128xf32>
    %dot_general3A_32 = tpu.matmul %div3A, %get3A_30, %dot_general3A_31 {dimension_numbers = #tpu.dot_dimension_numbers<[1], [0], [0], [1], [0, 0, 1, 1], [], []>, transpose_lhs_hint = false} : vector<200x128xf32>, vector<128x128xf32>, vector<200x128xf32> -> vector<200x128xf32>
    %get3A_33 = arith.constant 0 : index
    %get3A_34 = arith.constant 0 : index
    %get3A_35 = vector.load %arg6[%get3A_33, %get3A_34] : memref<1x128xf32, #tpu.memory_space<vmem>>, vector<1x128xf32>
    %add3A_36 = vector.broadcast %get3A_35 : vector<1x128xf32> to vector<200x128xf32>
    %add3A_37 = arith.addf %dot_general3A_32, %add3A_36 : vector<200x128xf32>
    %swap3A = arith.constant 0 : index
    %swap3A_38 = arith.constant 0 : index
    %swap3A_39 = vector.load %arg7[%swap3A, %swap3A_38] : memref<200x128xf32, #tpu.memory_space<vmem>>, vector<200x128xf32>
    tpu.vector_store %arg7[%swap3A, %swap3A_38], %add3A_37 {strides = array<i32>} : memref<200x128xf32, #tpu.memory_space<vmem>>, vector<200x128xf32>,
    %eq3A = arith.constant 0 : i32
    %eq3A_40 = arith.cmpi eq, %arg0, %eq3A : i32
    %convert_element_type3A_41 = arith.extui %eq3A_40 : i1 to i32
    %cond3A = arith.constant 0 : i32
    %cond3A_42 = arith.cmpi ne, %convert_element_type3A_41, %cond3A : i32
    scf.if %cond3A_42 {
      %broadcast_in_dim3A_64 = arith.constant 0.000000e+00 : f32
      %broadcast_in_dim3A_65 = vector.broadcast %broadcast_in_dim3A_64 : f32 to vector<1x128xf32>
      %swap3A_66 = arith.constant 0 : index
      %swap3A_67 = arith.constant 0 : index
      %swap3A_68 = vector.load %arg8[%swap3A_66, %swap3A_67] : memref<1x128xf32, #tpu.memory_space<vmem>>, vector<1x128xf32>
      tpu.vector_store %arg8[%swap3A_66, %swap3A_67], %broadcast_in_dim3A_65 {strides = array<i32>} : memref<1x128xf32, #tpu.memory_space<vmem>>, vector<1x128xf32>,
      %broadcast_in_dim3A_69 = arith.constant 0.000000e+00 : f32
      %broadcast_in_dim3A_70 = vector.broadcast %broadcast_in_dim3A_69 : f32 to vector<1x128xf32>
      %swap3A_71 = arith.constant 0 : index
      %swap3A_72 = arith.constant 0 : index
      %swap3A_73 = vector.load %arg9[%swap3A_71, %swap3A_72] : memref<1x128xf32, #tpu.memory_space<vmem>>, vector<1x128xf32>
      tpu.vector_store %arg9[%swap3A_71, %swap3A_72], %broadcast_in_dim3A_70 {strides = array<i32>} : memref<1x128xf32, #tpu.memory_space<vmem>>, vector<1x128xf32>,
    } else {
    }
    %get3A_43 = arith.constant 0 : index
    %get3A_44 = arith.constant 0 : index
    %get3A_45 = vector.load %arg8[%get3A_43, %get3A_44] : memref<1x128xf32, #tpu.memory_space<vmem>>, vector<1x128xf32>
    %reduce_sum3A_46 = arith.constant dense<0.000000e+00> : vector<128xf32>
    %reduce_sum3A_47 = vector.multi_reduction <add>, %add3A_37, %reduce_sum3A_46 [0] : vector<200x128xf32> to vector<128xf32>
    %broadcast_in_dim3A_48 = vector.shape_cast %reduce_sum3A_47 : vector<128xf32> to vector<1x128xf32>
    %add3A_49 = arith.addf %get3A_45, %broadcast_in_dim3A_48 : vector<1x128xf32>
    %swap3A_50 = arith.constant 0 : index
    %swap3A_51 = arith.constant 0 : index
    %swap3A_52 = vector.load %arg8[%swap3A_50, %swap3A_51] : memref<1x128xf32, #tpu.memory_space<vmem>>, vector<1x128xf32>
    tpu.vector_store %arg8[%swap3A_50, %swap3A_51], %add3A_49 {strides = array<i32>} : memref<1x128xf32, #tpu.memory_space<vmem>>, vector<1x128xf32>,
    %get3A_53 = arith.constant 0 : index
    %get3A_54 = arith.constant 0 : index
    %get3A_55 = vector.load %arg9[%get3A_53, %get3A_54] : memref<1x128xf32, #tpu.memory_space<vmem>>, vector<1x128xf32>
    %mul3A_56 = arith.mulf %add3A_37, %add3A_37 : vector<200x128xf32>
    %reduce_sum3A_57 = arith.constant dense<0.000000e+00> : vector<128xf32>
    %reduce_sum3A_58 = vector.multi_reduction <add>, %mul3A_56, %reduce_sum3A_57 [0] : vector<200x128xf32> to vector<128xf32>
    %broadcast_in_dim3A_59 = vector.shape_cast %reduce_sum3A_58 : vector<128xf32> to vector<1x128xf32>
    %add3A_60 = arith.addf %get3A_55, %broadcast_in_dim3A_59 : vector<1x128xf32>
    %swap3A_61 = arith.constant 0 : index
    %swap3A_62 = arith.constant 0 : index
    %swap3A_63 = vector.load %arg9[%swap3A_61, %swap3A_62] : memref<1x128xf32, #tpu.memory_space<vmem>>, vector<1x128xf32>
    tpu.vector_store %arg9[%swap3A_61, %swap3A_62], %add3A_60 {strides = array<i32>} : memref<1x128xf32, #tpu.memory_space<vmem>>, vector<1x128xf32>,
    return
  }
  func.func @transform_0(%arg0: i32) -> (i32, i32) {
    %c0_i32 = arith.constant 0 : i32
    %c0_i32_0 = arith.constant 0 : i32
    return %arg0, %c0_i32 : i32, i32
  }
  func.func @transform_1(%arg0: i32) -> (i32, i32) {
    %add3A = arith.constant 0 : i32
    %add3A_0 = arith.addi %arg0, %add3A : i32
    %c0_i32 = arith.constant 0 : i32
    %c0_i32_1 = arith.constant 0 : i32
    return %add3A_0, %c0_i32 : i32, i32
  }
  func.func @transform_2(%arg0: i32) -> (i32, i32) {
    %c0_i32 = arith.constant 0 : i32
    %c0_i32_0 = arith.constant 0 : i32
    %c0_i32_1 = arith.constant 0 : i32
    return %c0_i32, %c0_i32_0 : i32, i32
  }
  func.func @transform_3(%arg0: i32) -> (i32, i32) {
    %c0_i32 = arith.constant 0 : i32
    %c0_i32_0 = arith.constant 0 : i32
    %c0_i32_1 = arith.constant 0 : i32
    return %c0_i32, %c0_i32_0 : i32, i32
  }
  func.func @transform_4(%arg0: i32) -> (i32, i32) {
    %c0_i32 = arith.constant 0 : i32
    %c0_i32_0 = arith.constant 0 : i32
    %c0_i32_1 = arith.constant 0 : i32
    return %c0_i32, %c0_i32_0 : i32, i32
  }
  func.func @transform_5(%arg0: i32) -> (i32, i32) {
    %c0_i32 = arith.constant 0 : i32
    %c0_i32_0 = arith.constant 0 : i32
    %c0_i32_1 = arith.constant 0 : i32
    return %c0_i32, %c0_i32_0 : i32, i32
  }
  func.func @transform_6(%arg0: i32) -> (i32, i32) {
    %add3A = arith.constant 0 : i32
    %add3A_0 = arith.addi %arg0, %add3A : i32
    %c0_i32 = arith.constant 0 : i32
    %c0_i32_1 = arith.constant 0 : i32
    return %add3A_0, %c0_i32 : i32, i32
  }
  func.func @transform_7(%arg0: i32) -> (i32, i32) {
    %c0_i32 = arith.constant 0 : i32
    %c0_i32_0 = arith.constant 0 : i32
    %c0_i32_1 = arith.constant 0 : i32
    return %c0_i32, %c0_i32_0 : i32, i32
  }
  func.func @transform_8(%arg0: i32) -> (i32, i32) {
    %c0_i32 = arith.constant 0 : i32
    %c0_i32_0 = arith.constant 0 : i32
    %c0_i32_1 = arith.constant 0 : i32
    return %c0_i32, %c0_i32_0 : i32, i32
  }
}

module attributes {stable_mosaic.version = 14 : i64} {
  func.func @_attn_body2(%arg0: i32, %arg1: memref<5400x128xi32, #tpu.memory_space<vmem>>, %arg2: memref<200x128xf32, #tpu.memory_space<vmem>>, %arg3: memref<5400x128xf32, #tpu.memory_space<vmem>>, %arg4: memref<128x128xbf16, #tpu.memory_space<vmem>>, %arg5: memref<128x128xf32, #tpu.memory_space<vmem>>, %arg6: memref<1x128xf32, #tpu.memory_space<vmem>>, %arg7: memref<200x128xf32, #tpu.memory_space<vmem>>, %arg8: memref<200x128xf32, #tpu.memory_space<vmem>>, %arg9: memref<1x128xf32, #tpu.memory_space<vmem>>, %arg10: memref<1x128xf32, #tpu.memory_space<vmem>>) attributes {dimension_semantics = [#tpu.dimension_semantics<arbitrary>], iteration_bounds = array<i64: 50>, scalar_prefetch = 0 : i64, scratch_operands = 0 : i64, tpu.core_type = #tpu.core_type<tc>, window_params = [{transform_indices = @transform_0, window_bounds = array<i64: 5400, 128>}, {transform_indices = @transform_1, window_bounds = array<i64: 200, 128>}, {pipeline_mode = #tpu.pipeline_mode<synchronous>, transform_indices = @transform_2, window_bounds = array<i64: 5400, 128>}, {pipeline_mode = #tpu.pipeline_mode<synchronous>, transform_indices = @transform_3, window_bounds = array<i64: 128, 128>}, {pipeline_mode = #tpu.pipeline_mode<synchronous>, transform_indices = @transform_4, window_bounds = array<i64: 128, 128>}, {pipeline_mode = #tpu.pipeline_mode<synchronous>, transform_indices = @transform_5, window_bounds = array<i64: 1, 128>}, {transform_indices = @transform_6, window_bounds = array<i64: 200, 128>}, {transform_indices = @transform_7, window_bounds = array<i64: 200, 128>}, {pipeline_mode = #tpu.pipeline_mode<synchronous>, transform_indices = @transform_8, window_bounds = array<i64: 1, 128>}, {pipeline_mode = #tpu.pipeline_mode<synchronous>, transform_indices = @transform_9, window_bounds = array<i64: 1, 128>}]} {
    %get3A = arith.constant 0 : index
    %get3A_0 = arith.constant 0 : index
    %get3A_1 = vector.load %arg1[%get3A, %get3A_0] : memref<5400x128xi32, #tpu.memory_space<vmem>>, vector<5400x128xi32>
    %shift_left3A = arith.constant 16 : i32
    %shift_left3A_2 = vector.broadcast %shift_left3A : i32 to vector<5400x128xi32>
    %shift_left3A_3 = arith.shli %get3A_1, %shift_left3A_2 : vector<5400x128xi32>
    %bitcast_convert_type3A = tpu.bitcast %shift_left3A_3 : vector<5400x128xi32> -> vector<5400x128xf32>
    %and3A = arith.constant -65536 : i32
    %and3A_4 = vector.broadcast %and3A : i32 to vector<5400x128xi32>
    %and3A_5 = arith.andi %get3A_1, %and3A_4 : vector<5400x128xi32>
    %bitcast_convert_type3A_6 = tpu.bitcast %and3A_5 : vector<5400x128xi32> -> vector<5400x128xf32>
    %get3A_7 = arith.constant 0 : index
    %get3A_8 = arith.constant 0 : index
    %get3A_9 = vector.load %arg2[%get3A_7, %get3A_8] : memref<200x128xf32, #tpu.memory_space<vmem>>, vector<200x128xf32>
    %broadcast_in_dim3A = vector.shape_cast %get3A_9 : vector<200x128xf32> to vector<200x1x128xf32>
    %broadcast_in_dim3A_10 = vector.shape_cast %broadcast_in_dim3A : vector<200x1x128xf32> to vector<200x1x128xf32>
    %broadcast_in_dim3A_11 = vector.broadcast %broadcast_in_dim3A_10 : vector<200x1x128xf32> to vector<200x27x128xf32>
    %reshape3A = vector.shape_cast %broadcast_in_dim3A_11 : vector<200x27x128xf32> to vector<5400x128xf32>
    %get3A_12 = arith.constant 0 : index
    %get3A_13 = arith.constant 0 : index
    %get3A_14 = vector.load %arg3[%get3A_12, %get3A_13] : memref<5400x128xf32, #tpu.memory_space<vmem>>, vector<5400x128xf32>
    %add3A = arith.addf %bitcast_convert_type3A, %get3A_14 : vector<5400x128xf32>
    %mul3A = arith.mulf %add3A, %reshape3A : vector<5400x128xf32>
    %convert_element_type3A = arith.truncf %mul3A : vector<5400x128xf32> to vector<5400x128xbf16>
    %get3A_15 = arith.constant 0 : index
    %get3A_16 = arith.constant 0 : index
    %get3A_17 = vector.load %arg4[%get3A_15, %get3A_16] : memref<128x128xbf16, #tpu.memory_space<vmem>>, vector<128x128xbf16>
    %dot_general3A = arith.constant dense<0.000000e+00> : vector<5400x128xf32>
    %dot_general3A_18 = tpu.matmul %convert_element_type3A, %get3A_17, %dot_general3A {dimension_numbers = #tpu.dot_dimension_numbers<[1], [0], [0], [1], [0, 0, 1, 1], [], []>, transpose_lhs_hint = false} : vector<5400x128xbf16>, vector<128x128xbf16>, vector<5400x128xf32> -> vector<5400x128xf32>
    %reshape3A_19 = vector.shape_cast %dot_general3A_18 : vector<5400x128xf32> to vector<200x27x128xf32>
    %exp3A = math.exp %reshape3A_19 : vector<200x27x128xf32>
    %reduce_sum3A = arith.constant dense<0.000000e+00> : vector<200x128xf32>
    %reduce_sum3A_20 = vector.multi_reduction <add>, %exp3A, %reduce_sum3A [1] : vector<200x27x128xf32> to vector<200x128xf32>
    %add3A_21 = arith.constant 1.000000e-16 : f32
    %add3A_22 = vector.broadcast %add3A_21 : f32 to vector<200x128xf32>
    %add3A_23 = arith.addf %reduce_sum3A_20, %add3A_22 : vector<200x128xf32>
    %reshape3A_24 = vector.shape_cast %bitcast_convert_type3A_6 : vector<5400x128xf32> to vector<200x27x128xf32>
    %mul3A_25 = arith.mulf %exp3A, %reshape3A_24 : vector<200x27x128xf32>
    %reduce_sum3A_26 = arith.constant dense<0.000000e+00> : vector<200x128xf32>
    %reduce_sum3A_27 = vector.multi_reduction <add>, %mul3A_25, %reduce_sum3A_26 [1] : vector<200x27x128xf32> to vector<200x128xf32>
    %div3A = arith.divf %reduce_sum3A_27, %add3A_23 : vector<200x128xf32>
    %get3A_28 = arith.constant 0 : index
    %get3A_29 = arith.constant 0 : index
    %get3A_30 = vector.load %arg5[%get3A_28, %get3A_29] : memref<128x128xf32, #tpu.memory_space<vmem>>, vector<128x128xf32>
    %dot_general3A_31 = arith.constant dense<0.000000e+00> : vector<200x128xf32>
    %dot_general3A_32 = tpu.matmul %div3A, %get3A_30, %dot_general3A_31 {dimension_numbers = #tpu.dot_dimension_numbers<[1], [0], [0], [1], [0, 0, 1, 1], [], []>, transpose_lhs_hint = false} : vector<200x128xf32>, vector<128x128xf32>, vector<200x128xf32> -> vector<200x128xf32>
    %get3A_33 = arith.constant 0 : index
    %get3A_34 = arith.constant 0 : index
    %get3A_35 = vector.load %arg6[%get3A_33, %get3A_34] : memref<1x128xf32, #tpu.memory_space<vmem>>, vector<1x128xf32>
    %add3A_36 = vector.broadcast %get3A_35 : vector<1x128xf32> to vector<200x128xf32>
    %add3A_37 = arith.addf %dot_general3A_32, %add3A_36 : vector<200x128xf32>
    %swap3A = arith.constant 0 : index
    %swap3A_38 = arith.constant 0 : index
    %swap3A_39 = vector.load %arg8[%swap3A, %swap3A_38] : memref<200x128xf32, #tpu.memory_space<vmem>>, vector<200x128xf32>
    tpu.vector_store %arg8[%swap3A, %swap3A_38], %add3A_37 {strides = array<i32>} : memref<200x128xf32, #tpu.memory_space<vmem>>, vector<200x128xf32>,
    %eq3A = arith.constant 0 : i32
    %eq3A_40 = arith.cmpi eq, %arg0, %eq3A : i32
    %convert_element_type3A_41 = arith.extui %eq3A_40 : i1 to i32
    %cond3A = arith.constant 0 : i32
    %cond3A_42 = arith.cmpi ne, %convert_element_type3A_41, %cond3A : i32
    scf.if %cond3A_42 {
      %broadcast_in_dim3A_64 = arith.constant 0.000000e+00 : f32
      %broadcast_in_dim3A_65 = vector.broadcast %broadcast_in_dim3A_64 : f32 to vector<1x128xf32>
      %swap3A_66 = arith.constant 0 : index
      %swap3A_67 = arith.constant 0 : index
      %swap3A_68 = vector.load %arg9[%swap3A_66, %swap3A_67] : memref<1x128xf32, #tpu.memory_space<vmem>>, vector<1x128xf32>
      tpu.vector_store %arg9[%swap3A_66, %swap3A_67], %broadcast_in_dim3A_65 {strides = array<i32>} : memref<1x128xf32, #tpu.memory_space<vmem>>, vector<1x128xf32>,
      %broadcast_in_dim3A_69 = arith.constant 0.000000e+00 : f32
      %broadcast_in_dim3A_70 = vector.broadcast %broadcast_in_dim3A_69 : f32 to vector<1x128xf32>
      %swap3A_71 = arith.constant 0 : index
      %swap3A_72 = arith.constant 0 : index
      %swap3A_73 = vector.load %arg10[%swap3A_71, %swap3A_72] : memref<1x128xf32, #tpu.memory_space<vmem>>, vector<1x128xf32>
      tpu.vector_store %arg10[%swap3A_71, %swap3A_72], %broadcast_in_dim3A_70 {strides = array<i32>} : memref<1x128xf32, #tpu.memory_space<vmem>>, vector<1x128xf32>,
    } else {
    }
    %get3A_43 = arith.constant 0 : index
    %get3A_44 = arith.constant 0 : index
    %get3A_45 = vector.load %arg9[%get3A_43, %get3A_44] : memref<1x128xf32, #tpu.memory_space<vmem>>, vector<1x128xf32>
    %reduce_sum3A_46 = arith.constant dense<0.000000e+00> : vector<128xf32>
    %reduce_sum3A_47 = vector.multi_reduction <add>, %add3A_37, %reduce_sum3A_46 [0] : vector<200x128xf32> to vector<128xf32>
    %broadcast_in_dim3A_48 = vector.shape_cast %reduce_sum3A_47 : vector<128xf32> to vector<1x128xf32>
    %add3A_49 = arith.addf %get3A_45, %broadcast_in_dim3A_48 : vector<1x128xf32>
    %swap3A_50 = arith.constant 0 : index
    %swap3A_51 = arith.constant 0 : index
    %swap3A_52 = vector.load %arg9[%swap3A_50, %swap3A_51] : memref<1x128xf32, #tpu.memory_space<vmem>>, vector<1x128xf32>
    tpu.vector_store %arg9[%swap3A_50, %swap3A_51], %add3A_49 {strides = array<i32>} : memref<1x128xf32, #tpu.memory_space<vmem>>, vector<1x128xf32>,
    %get3A_53 = arith.constant 0 : index
    %get3A_54 = arith.constant 0 : index
    %get3A_55 = vector.load %arg10[%get3A_53, %get3A_54] : memref<1x128xf32, #tpu.memory_space<vmem>>, vector<1x128xf32>
    %mul3A_56 = arith.mulf %add3A_37, %add3A_37 : vector<200x128xf32>
    %reduce_sum3A_57 = arith.constant dense<0.000000e+00> : vector<128xf32>
    %reduce_sum3A_58 = vector.multi_reduction <add>, %mul3A_56, %reduce_sum3A_57 [0] : vector<200x128xf32> to vector<128xf32>
    %broadcast_in_dim3A_59 = vector.shape_cast %reduce_sum3A_58 : vector<128xf32> to vector<1x128xf32>
    %add3A_60 = arith.addf %get3A_55, %broadcast_in_dim3A_59 : vector<1x128xf32>
    %swap3A_61 = arith.constant 0 : index
    %swap3A_62 = arith.constant 0 : index
    %swap3A_63 = vector.load %arg10[%swap3A_61, %swap3A_62] : memref<1x128xf32, #tpu.memory_space<vmem>>, vector<1x128xf32>
    tpu.vector_store %arg10[%swap3A_61, %swap3A_62], %add3A_60 {strides = array<i32>} : memref<1x128xf32, #tpu.memory_space<vmem>>, vector<1x128xf32>,
    return
  }
  func.func @transform_0(%arg0: i32) -> (i32, i32) {
    %c0_i32 = arith.constant 0 : i32
    %c0_i32_0 = arith.constant 0 : i32
    return %arg0, %c0_i32 : i32, i32
  }
  func.func @transform_1(%arg0: i32) -> (i32, i32) {
    %add3A = arith.constant 50 : i32
    %add3A_0 = arith.addi %arg0, %add3A : i32
    %c0_i32 = arith.constant 0 : i32
    %c0_i32_1 = arith.constant 0 : i32
    return %add3A_0, %c0_i32 : i32, i32
  }
  func.func @transform_2(%arg0: i32) -> (i32, i32) {
    %c0_i32 = arith.constant 0 : i32
    %c0_i32_0 = arith.constant 0 : i32
    %c0_i32_1 = arith.constant 0 : i32
    return %c0_i32, %c0_i32_0 : i32, i32
  }
  func.func @transform_3(%arg0: i32) -> (i32, i32) {
    %c0_i32 = arith.constant 0 : i32
    %c0_i32_0 = arith.constant 0 : i32
    %c0_i32_1 = arith.constant 0 : i32
    return %c0_i32, %c0_i32_0 : i32, i32
  }
  func.func @transform_4(%arg0: i32) -> (i32, i32) {
    %c0_i32 = arith.constant 0 : i32
    %c0_i32_0 = arith.constant 0 : i32
    %c0_i32_1 = arith.constant 0 : i32
    return %c0_i32, %c0_i32_0 : i32, i32
  }
  func.func @transform_5(%arg0: i32) -> (i32, i32) {
    %c0_i32 = arith.constant 0 : i32
    %c0_i32_0 = arith.constant 0 : i32
    %c0_i32_1 = arith.constant 0 : i32
    return %c0_i32, %c0_i32_0 : i32, i32
  }
  func.func @transform_6(%arg0: i32) -> (i32, i32) {
    %add3A = arith.constant 50 : i32
    %add3A_0 = arith.addi %arg0, %add3A : i32
    %c0_i32 = arith.constant 0 : i32
    %c0_i32_1 = arith.constant 0 : i32
    return %add3A_0, %c0_i32 : i32, i32
  }
  func.func @transform_7(%arg0: i32) -> (i32, i32) {
    %add3A = arith.constant 50 : i32
    %add3A_0 = arith.addi %arg0, %add3A : i32
    %c0_i32 = arith.constant 0 : i32
    %c0_i32_1 = arith.constant 0 : i32
    return %add3A_0, %c0_i32 : i32, i32
  }
  func.func @transform_8(%arg0: i32) -> (i32, i32) {
    %c0_i32 = arith.constant 0 : i32
    %c0_i32_0 = arith.constant 0 : i32
    %c0_i32_1 = arith.constant 0 : i32
    return %c0_i32, %c0_i32_0 : i32, i32
  }
  func.func @transform_9(%arg0: i32) -> (i32, i32) {
    %c0_i32 = arith.constant 0 : i32
    %c0_i32_0 = arith.constant 0 : i32
    %c0_i32_1 = arith.constant 0 : i32
    return %c0_i32, %c0_i32_0 : i32, i32
  }
}

module attributes {stable_mosaic.version = 14 : i64} {
  func.func @_bn1_body(%arg0: i32, %arg1: memref<2000x128xf32, #tpu.memory_space<vmem>>, %arg2: memref<2000x128xf32, #tpu.memory_space<vmem>>, %arg3: memref<1x128xf32, #tpu.memory_space<vmem>>, %arg4: memref<1x128xf32, #tpu.memory_space<vmem>>, %arg5: memref<1x128xf32, #tpu.memory_space<vmem>>, %arg6: memref<1x128xf32, #tpu.memory_space<vmem>>, %arg7: memref<1x128xf32, #tpu.memory_space<vmem>>, %arg8: memref<1x128xf32, #tpu.memory_space<vmem>>, %arg9: memref<128x128xf32, #tpu.memory_space<vmem>>, %arg10: memref<2000x128xf32, #tpu.memory_space<vmem>>, %arg11: memref<2000x128xf32, #tpu.memory_space<vmem>>, %arg12: memref<1x128xf32, #tpu.memory_space<vmem>>, %arg13: memref<1x128xf32, #tpu.memory_space<vmem>>) attributes {dimension_semantics = [#tpu.dimension_semantics<arbitrary>], iteration_bounds = array<i64: 10>, scalar_prefetch = 0 : i64, scratch_operands = 0 : i64, tpu.core_type = #tpu.core_type<tc>, window_params = [{transform_indices = @transform_0, window_bounds = array<i64: 2000, 128>}, {transform_indices = @transform_1, window_bounds = array<i64: 2000, 128>}, {pipeline_mode = #tpu.pipeline_mode<synchronous>, transform_indices = @transform_2, window_bounds = array<i64: 1, 128>}, {pipeline_mode = #tpu.pipeline_mode<synchronous>, transform_indices = @transform_3, window_bounds = array<i64: 1, 128>}, {pipeline_mode = #tpu.pipeline_mode<synchronous>, transform_indices = @transform_4, window_bounds = array<i64: 1, 128>}, {pipeline_mode = #tpu.pipeline_mode<synchronous>, transform_indices = @transform_5, window_bounds = array<i64: 1, 128>}, {pipeline_mode = #tpu.pipeline_mode<synchronous>, transform_indices = @transform_6, window_bounds = array<i64: 1, 128>}, {pipeline_mode = #tpu.pipeline_mode<synchronous>, transform_indices = @transform_7, window_bounds = array<i64: 1, 128>}, {pipeline_mode = #tpu.pipeline_mode<synchronous>, transform_indices = @transform_8, window_bounds = array<i64: 128, 128>}, {transform_indices = @transform_9, window_bounds = array<i64: 2000, 128>}, {transform_indices = @transform_10, window_bounds = array<i64: 2000, 128>}, {pipeline_mode = #tpu.pipeline_mode<synchronous>, transform_indices = @transform_11, window_bounds = array<i64: 1, 128>}, {pipeline_mode = #tpu.pipeline_mode<synchronous>, transform_indices = @transform_12, window_bounds = array<i64: 1, 128>}]} {
    %get3A = arith.constant 0 : index
    %get3A_0 = arith.constant 0 : index
    %get3A_1 = vector.load %arg3[%get3A, %get3A_0] : memref<1x128xf32, #tpu.memory_space<vmem>>, vector<1x128xf32>
    %get3A_2 = arith.constant 0 : index
    %get3A_3 = arith.constant 0 : index
    %get3A_4 = vector.load %arg5[%get3A_2, %get3A_3] : memref<1x128xf32, #tpu.memory_space<vmem>>, vector<1x128xf32>
    %add3A = arith.addf %get3A_1, %get3A_4 : vector<1x128xf32>
    %div3A = arith.constant 2.000000e+04 : f32
    %div3A_5 = vector.broadcast %div3A : f32 to vector<1x128xf32>
    %div3A_6 = arith.divf %add3A, %div3A_5 : vector<1x128xf32>
    %get3A_7 = arith.constant 0 : index
    %get3A_8 = arith.constant 0 : index
    %get3A_9 = vector.load %arg4[%get3A_7, %get3A_8] : memref<1x128xf32, #tpu.memory_space<vmem>>, vector<1x128xf32>
    %get3A_10 = arith.constant 0 : index
    %get3A_11 = arith.constant 0 : index
    %get3A_12 = vector.load %arg6[%get3A_10, %get3A_11] : memref<1x128xf32, #tpu.memory_space<vmem>>, vector<1x128xf32>
    %add3A_13 = arith.addf %get3A_9, %get3A_12 : vector<1x128xf32>
    %div3A_14 = arith.constant 2.000000e+04 : f32
    %div3A_15 = vector.broadcast %div3A_14 : f32 to vector<1x128xf32>
    %div3A_16 = arith.divf %add3A_13, %div3A_15 : vector<1x128xf32>
    %mul3A = arith.mulf %div3A_6, %div3A_6 : vector<1x128xf32>
    %sub3A = arith.subf %div3A_16, %mul3A : vector<1x128xf32>
    %add3A_17 = arith.constant 9.99999974E-6 : f32
    %add3A_18 = vector.broadcast %add3A_17 : f32 to vector<1x128xf32>
    %add3A_19 = arith.addf %sub3A, %add3A_18 : vector<1x128xf32>
    %rsqrt3A = math.rsqrt %add3A_19 : vector<1x128xf32>
    %get3A_20 = arith.constant 0 : index
    %get3A_21 = arith.constant 0 : index
    %get3A_22 = vector.load %arg1[%get3A_20, %get3A_21] : memref<2000x128xf32, #tpu.memory_space<vmem>>, vector<2000x128xf32>
    %sub3A_23 = vector.broadcast %div3A_6 : vector<1x128xf32> to vector<2000x128xf32>
    %sub3A_24 = arith.subf %get3A_22, %sub3A_23 : vector<2000x128xf32>
    %get3A_25 = arith.constant 0 : index
    %get3A_26 = arith.constant 0 : index
    %get3A_27 = vector.load %arg7[%get3A_25, %get3A_26] : memref<1x128xf32, #tpu.memory_space<vmem>>, vector<1x128xf32>
    %mul3A_28 = arith.mulf %rsqrt3A, %get3A_27 : vector<1x128xf32>
    %mul3A_29 = vector.broadcast %mul3A_28 : vector<1x128xf32> to vector<2000x128xf32>
    %mul3A_30 = arith.mulf %sub3A_24, %mul3A_29 : vector<2000x128xf32>
    %get3A_31 = arith.constant 0 : index
    %get3A_32 = arith.constant 0 : index
    %get3A_33 = vector.load %arg8[%get3A_31, %get3A_32] : memref<1x128xf32, #tpu.memory_space<vmem>>, vector<1x128xf32>
    %add3A_34 = vector.broadcast %get3A_33 : vector<1x128xf32> to vector<2000x128xf32>
    %add3A_35 = arith.addf %mul3A_30, %add3A_34 : vector<2000x128xf32>
    %get3A_36 = arith.constant 0 : index
    %get3A_37 = arith.constant 0 : index
    %get3A_38 = vector.load %arg2[%get3A_36, %get3A_37] : memref<2000x128xf32, #tpu.memory_space<vmem>>, vector<2000x128xf32>
    %add3A_39 = arith.addf %add3A_35, %get3A_38 : vector<2000x128xf32>
    %swap3A = arith.constant 0 : index
    %swap3A_40 = arith.constant 0 : index
    %swap3A_41 = vector.load %arg10[%swap3A, %swap3A_40] : memref<2000x128xf32, #tpu.memory_space<vmem>>, vector<2000x128xf32>
    tpu.vector_store %arg10[%swap3A, %swap3A_40], %add3A_39 {strides = array<i32>} : memref<2000x128xf32, #tpu.memory_space<vmem>>, vector<2000x128xf32>,
    %get3A_42 = arith.constant 0 : index
    %get3A_43 = arith.constant 0 : index
    %get3A_44 = vector.load %arg9[%get3A_42, %get3A_43] : memref<128x128xf32, #tpu.memory_space<vmem>>, vector<128x128xf32>
    %dot_general3A = arith.constant dense<0.000000e+00> : vector<2000x128xf32>
    %dot_general3A_45 = tpu.matmul %add3A_39, %get3A_44, %dot_general3A {dimension_numbers = #tpu.dot_dimension_numbers<[1], [0], [0], [1], [0, 0, 1, 1], [], []>, transpose_lhs_hint = false} : vector<2000x128xf32>, vector<128x128xf32>, vector<2000x128xf32> -> vector<2000x128xf32>
    %swap3A_46 = arith.constant 0 : index
    %swap3A_47 = arith.constant 0 : index
    %swap3A_48 = vector.load %arg11[%swap3A_46, %swap3A_47] : memref<2000x128xf32, #tpu.memory_space<vmem>>, vector<2000x128xf32>
    tpu.vector_store %arg11[%swap3A_46, %swap3A_47], %dot_general3A_45 {strides = array<i32>} : memref<2000x128xf32, #tpu.memory_space<vmem>>, vector<2000x128xf32>,
    %eq3A = arith.constant 0 : i32
    %eq3A_49 = arith.cmpi eq, %arg0, %eq3A : i32
    %convert_element_type3A = arith.extui %eq3A_49 : i1 to i32
    %cond3A = arith.constant 0 : i32
    %cond3A_50 = arith.cmpi ne, %convert_element_type3A, %cond3A : i32
    scf.if %cond3A_50 {
      %broadcast_in_dim3A_70 = arith.constant 0.000000e+00 : f32
      %broadcast_in_dim3A_71 = vector.broadcast %broadcast_in_dim3A_70 : f32 to vector<1x128xf32>
      %swap3A_72 = arith.constant 0 : index
      %swap3A_73 = arith.constant 0 : index
      %swap3A_74 = vector.load %arg12[%swap3A_72, %swap3A_73] : memref<1x128xf32, #tpu.memory_space<vmem>>, vector<1x128xf32>
      tpu.vector_store %arg12[%swap3A_72, %swap3A_73], %broadcast_in_dim3A_71 {strides = array<i32>} : memref<1x128xf32, #tpu.memory_space<vmem>>, vector<1x128xf32>,
      %broadcast_in_dim3A_75 = arith.constant 0.000000e+00 : f32
      %broadcast_in_dim3A_76 = vector.broadcast %broadcast_in_dim3A_75 : f32 to vector<1x128xf32>
      %swap3A_77 = arith.constant 0 : index
      %swap3A_78 = arith.constant 0 : index
      %swap3A_79 = vector.load %arg13[%swap3A_77, %swap3A_78] : memref<1x128xf32, #tpu.memory_space<vmem>>, vector<1x128xf32>
      tpu.vector_store %arg13[%swap3A_77, %swap3A_78], %broadcast_in_dim3A_76 {strides = array<i32>} : memref<1x128xf32, #tpu.memory_space<vmem>>, vector<1x128xf32>,
    } else {
    }
    %get3A_51 = arith.constant 0 : index
    %get3A_52 = arith.constant 0 : index
    %get3A_53 = vector.load %arg12[%get3A_51, %get3A_52] : memref<1x128xf32, #tpu.memory_space<vmem>>, vector<1x128xf32>
    %reduce_sum3A = arith.constant dense<0.000000e+00> : vector<128xf32>
    %reduce_sum3A_54 = vector.multi_reduction <add>, %dot_general3A_45, %reduce_sum3A [0] : vector<2000x128xf32> to vector<128xf32>
    %broadcast_in_dim3A = vector.shape_cast %reduce_sum3A_54 : vector<128xf32> to vector<1x128xf32>
    %add3A_55 = arith.addf %get3A_53, %broadcast_in_dim3A : vector<1x128xf32>
    %swap3A_56 = arith.constant 0 : index
    %swap3A_57 = arith.constant 0 : index
    %swap3A_58 = vector.load %arg12[%swap3A_56, %swap3A_57] : memref<1x128xf32, #tpu.memory_space<vmem>>, vector<1x128xf32>
    tpu.vector_store %arg12[%swap3A_56, %swap3A_57], %add3A_55 {strides = array<i32>} : memref<1x128xf32, #tpu.memory_space<vmem>>, vector<1x128xf32>,
    %get3A_59 = arith.constant 0 : index
    %get3A_60 = arith.constant 0 : index
    %get3A_61 = vector.load %arg13[%get3A_59, %get3A_60] : memref<1x128xf32, #tpu.memory_space<vmem>>, vector<1x128xf32>
    %mul3A_62 = arith.mulf %dot_general3A_45, %dot_general3A_45 : vector<2000x128xf32>
    %reduce_sum3A_63 = arith.constant dense<0.000000e+00> : vector<128xf32>
    %reduce_sum3A_64 = vector.multi_reduction <add>, %mul3A_62, %reduce_sum3A_63 [0] : vector<2000x128xf32> to vector<128xf32>
    %broadcast_in_dim3A_65 = vector.shape_cast %reduce_sum3A_64 : vector<128xf32> to vector<1x128xf32>
    %add3A_66 = arith.addf %get3A_61, %broadcast_in_dim3A_65 : vector<1x128xf32>
    %swap3A_67 = arith.constant 0 : index
    %swap3A_68 = arith.constant 0 : index
    %swap3A_69 = vector.load %arg13[%swap3A_67, %swap3A_68] : memref<1x128xf32, #tpu.memory_space<vmem>>, vector<1x128xf32>
    tpu.vector_store %arg13[%swap3A_67, %swap3A_68], %add3A_66 {strides = array<i32>} : memref<1x128xf32, #tpu.memory_space<vmem>>, vector<1x128xf32>,
    return
  }
  func.func @transform_0(%arg0: i32) -> (i32, i32) {
    %c0_i32 = arith.constant 0 : i32
    %c0_i32_0 = arith.constant 0 : i32
    return %arg0, %c0_i32 : i32, i32
  }
  func.func @transform_1(%arg0: i32) -> (i32, i32) {
    %c0_i32 = arith.constant 0 : i32
    %c0_i32_0 = arith.constant 0 : i32
    return %arg0, %c0_i32 : i32, i32
  }
  func.func @transform_2(%arg0: i32) -> (i32, i32) {
    %c0_i32 = arith.constant 0 : i32
    %c0_i32_0 = arith.constant 0 : i32
    %c0_i32_1 = arith.constant 0 : i32
    return %c0_i32, %c0_i32_0 : i32, i32
  }
  func.func @transform_3(%arg0: i32) -> (i32, i32) {
    %c0_i32 = arith.constant 0 : i32
    %c0_i32_0 = arith.constant 0 : i32
    %c0_i32_1 = arith.constant 0 : i32
    return %c0_i32, %c0_i32_0 : i32, i32
  }
  func.func @transform_4(%arg0: i32) -> (i32, i32) {
    %c0_i32 = arith.constant 0 : i32
    %c0_i32_0 = arith.constant 0 : i32
    %c0_i32_1 = arith.constant 0 : i32
    return %c0_i32, %c0_i32_0 : i32, i32
  }
  func.func @transform_5(%arg0: i32) -> (i32, i32) {
    %c0_i32 = arith.constant 0 : i32
    %c0_i32_0 = arith.constant 0 : i32
    %c0_i32_1 = arith.constant 0 : i32
    return %c0_i32, %c0_i32_0 : i32, i32
  }
  func.func @transform_6(%arg0: i32) -> (i32, i32) {
    %c0_i32 = arith.constant 0 : i32
    %c0_i32_0 = arith.constant 0 : i32
    %c0_i32_1 = arith.constant 0 : i32
    return %c0_i32, %c0_i32_0 : i32, i32
  }
  func.func @transform_7(%arg0: i32) -> (i32, i32) {
    %c0_i32 = arith.constant 0 : i32
    %c0_i32_0 = arith.constant 0 : i32
    %c0_i32_1 = arith.constant 0 : i32
    return %c0_i32, %c0_i32_0 : i32, i32
  }
  func.func @transform_8(%arg0: i32) -> (i32, i32) {
    %c0_i32 = arith.constant 0 : i32
    %c0_i32_0 = arith.constant 0 : i32
    %c0_i32_1 = arith.constant 0 : i32
    return %c0_i32, %c0_i32_0 : i32, i32
  }
  func.func @transform_9(%arg0: i32) -> (i32, i32) {
    %c0_i32 = arith.constant 0 : i32
    %c0_i32_0 = arith.constant 0 : i32
    return %arg0, %c0_i32 : i32, i32
  }
  func.func @transform_10(%arg0: i32) -> (i32, i32) {
    %c0_i32 = arith.constant 0 : i32
    %c0_i32_0 = arith.constant 0 : i32
    return %arg0, %c0_i32 : i32, i32
  }
  func.func @transform_11(%arg0: i32) -> (i32, i32) {
    %c0_i32 = arith.constant 0 : i32
    %c0_i32_0 = arith.constant 0 : i32
    %c0_i32_1 = arith.constant 0 : i32
    return %c0_i32, %c0_i32_0 : i32, i32
  }
  func.func @transform_12(%arg0: i32) -> (i32, i32) {
    %c0_i32 = arith.constant 0 : i32
    %c0_i32_0 = arith.constant 0 : i32
    %c0_i32_1 = arith.constant 0 : i32
    return %c0_i32, %c0_i32_0 : i32, i32
  }
}

module attributes {stable_mosaic.version = 14 : i64} {
  func.func @_mlp_body(%arg0: i32, %arg1: memref<2000x128xf32, #tpu.memory_space<vmem>>, %arg2: memref<1x128xf32, #tpu.memory_space<vmem>>, %arg3: memref<1x128xf32, #tpu.memory_space<vmem>>, %arg4: memref<1x128xf32, #tpu.memory_space<vmem>>, %arg5: memref<1x128xf32, #tpu.memory_space<vmem>>, %arg6: memref<128x128xf32, #tpu.memory_space<vmem>>, %arg7: memref<1x128xf32, #tpu.memory_space<vmem>>, %arg8: memref<2000x128xf32, #tpu.memory_space<vmem>>, %arg9: memref<1x128xf32, #tpu.memory_space<vmem>>, %arg10: memref<1x128xf32, #tpu.memory_space<vmem>>) attributes {dimension_semantics = [#tpu.dimension_semantics<arbitrary>], iteration_bounds = array<i64: 10>, scalar_prefetch = 0 : i64, scratch_operands = 0 : i64, tpu.core_type = #tpu.core_type<tc>, window_params = [{transform_indices = @transform_0, window_bounds = array<i64: 2000, 128>}, {pipeline_mode = #tpu.pipeline_mode<synchronous>, transform_indices = @transform_1, window_bounds = array<i64: 1, 128>}, {pipeline_mode = #tpu.pipeline_mode<synchronous>, transform_indices = @transform_2, window_bounds = array<i64: 1, 128>}, {pipeline_mode = #tpu.pipeline_mode<synchronous>, transform_indices = @transform_3, window_bounds = array<i64: 1, 128>}, {pipeline_mode = #tpu.pipeline_mode<synchronous>, transform_indices = @transform_4, window_bounds = array<i64: 1, 128>}, {pipeline_mode = #tpu.pipeline_mode<synchronous>, transform_indices = @transform_5, window_bounds = array<i64: 128, 128>}, {pipeline_mode = #tpu.pipeline_mode<synchronous>, transform_indices = @transform_6, window_bounds = array<i64: 1, 128>}, {transform_indices = @transform_7, window_bounds = array<i64: 2000, 128>}, {pipeline_mode = #tpu.pipeline_mode<synchronous>, transform_indices = @transform_8, window_bounds = array<i64: 1, 128>}, {pipeline_mode = #tpu.pipeline_mode<synchronous>, transform_indices = @transform_9, window_bounds = array<i64: 1, 128>}]} {
    %get3A = arith.constant 0 : index
    %get3A_0 = arith.constant 0 : index
    %get3A_1 = vector.load %arg2[%get3A, %get3A_0] : memref<1x128xf32, #tpu.memory_space<vmem>>, vector<1x128xf32>
    %div3A = arith.constant 2.000000e+04 : f32
    %div3A_2 = vector.broadcast %div3A : f32 to vector<1x128xf32>
    %div3A_3 = arith.divf %get3A_1, %div3A_2 : vector<1x128xf32>
    %get3A_4 = arith.constant 0 : index
    %get3A_5 = arith.constant 0 : index
    %get3A_6 = vector.load %arg3[%get3A_4, %get3A_5] : memref<1x128xf32, #tpu.memory_space<vmem>>, vector<1x128xf32>
    %div3A_7 = arith.constant 2.000000e+04 : f32
    %div3A_8 = vector.broadcast %div3A_7 : f32 to vector<1x128xf32>
    %div3A_9 = arith.divf %get3A_6, %div3A_8 : vector<1x128xf32>
    %mul3A = arith.mulf %div3A_3, %div3A_3 : vector<1x128xf32>
    %sub3A = arith.subf %div3A_9, %mul3A : vector<1x128xf32>
    %add3A = arith.constant 9.99999974E-6 : f32
    %add3A_10 = vector.broadcast %add3A : f32 to vector<1x128xf32>
    %add3A_11 = arith.addf %sub3A, %add3A_10 : vector<1x128xf32>
    %rsqrt3A = math.rsqrt %add3A_11 : vector<1x128xf32>
    %get3A_12 = arith.constant 0 : index
    %get3A_13 = arith.constant 0 : index
    %get3A_14 = vector.load %arg1[%get3A_12, %get3A_13] : memref<2000x128xf32, #tpu.memory_space<vmem>>, vector<2000x128xf32>
    %sub3A_15 = vector.broadcast %div3A_3 : vector<1x128xf32> to vector<2000x128xf32>
    %sub3A_16 = arith.subf %get3A_14, %sub3A_15 : vector<2000x128xf32>
    %get3A_17 = arith.constant 0 : index
    %get3A_18 = arith.constant 0 : index
    %get3A_19 = vector.load %arg4[%get3A_17, %get3A_18] : memref<1x128xf32, #tpu.memory_space<vmem>>, vector<1x128xf32>
    %mul3A_20 = arith.mulf %rsqrt3A, %get3A_19 : vector<1x128xf32>
    %mul3A_21 = vector.broadcast %mul3A_20 : vector<1x128xf32> to vector<2000x128xf32>
    %mul3A_22 = arith.mulf %sub3A_16, %mul3A_21 : vector<2000x128xf32>
    %get3A_23 = arith.constant 0 : index
    %get3A_24 = arith.constant 0 : index
    %get3A_25 = vector.load %arg5[%get3A_23, %get3A_24] : memref<1x128xf32, #tpu.memory_space<vmem>>, vector<1x128xf32>
    %add3A_26 = vector.broadcast %get3A_25 : vector<1x128xf32> to vector<2000x128xf32>
    %add3A_27 = arith.addf %mul3A_22, %add3A_26 : vector<2000x128xf32>
    %max3A = arith.constant 0.000000e+00 : f32
    %max3A_28 = vector.broadcast %max3A : f32 to vector<2000x128xf32>
    %max3A_29 = arith.maximumf %add3A_27, %max3A_28 : vector<2000x128xf32>
    %get3A_30 = arith.constant 0 : index
    %get3A_31 = arith.constant 0 : index
    %get3A_32 = vector.load %arg6[%get3A_30, %get3A_31] : memref<128x128xf32, #tpu.memory_space<vmem>>, vector<128x128xf32>
    %dot_general3A = arith.constant dense<0.000000e+00> : vector<2000x128xf32>
    %dot_general3A_33 = tpu.matmul %max3A_29, %get3A_32, %dot_general3A {dimension_numbers = #tpu.dot_dimension_numbers<[1], [0], [0], [1], [0, 0, 1, 1], [], []>, transpose_lhs_hint = false} : vector<2000x128xf32>, vector<128x128xf32>, vector<2000x128xf32> -> vector<2000x128xf32>
    %get3A_34 = arith.constant 0 : index
    %get3A_35 = arith.constant 0 : index
    %get3A_36 = vector.load %arg7[%get3A_34, %get3A_35] : memref<1x128xf32, #tpu.memory_space<vmem>>, vector<1x128xf32>
    %add3A_37 = vector.broadcast %get3A_36 : vector<1x128xf32> to vector<2000x128xf32>
    %add3A_38 = arith.addf %dot_general3A_33, %add3A_37 : vector<2000x128xf32>
    %swap3A = arith.constant 0 : index
    %swap3A_39 = arith.constant 0 : index
    %swap3A_40 = vector.load %arg8[%swap3A, %swap3A_39] : memref<2000x128xf32, #tpu.memory_space<vmem>>, vector<2000x128xf32>
    tpu.vector_store %arg8[%swap3A, %swap3A_39], %add3A_38 {strides = array<i32>} : memref<2000x128xf32, #tpu.memory_space<vmem>>, vector<2000x128xf32>,
    %eq3A = arith.constant 0 : i32
    %eq3A_41 = arith.cmpi eq, %arg0, %eq3A : i32
    %convert_element_type3A = arith.extui %eq3A_41 : i1 to i32
    %cond3A = arith.constant 0 : i32
    %cond3A_42 = arith.cmpi ne, %convert_element_type3A, %cond3A : i32
    scf.if %cond3A_42 {
      %broadcast_in_dim3A_62 = arith.constant 0.000000e+00 : f32
      %broadcast_in_dim3A_63 = vector.broadcast %broadcast_in_dim3A_62 : f32 to vector<1x128xf32>
      %swap3A_64 = arith.constant 0 : index
      %swap3A_65 = arith.constant 0 : index
      %swap3A_66 = vector.load %arg9[%swap3A_64, %swap3A_65] : memref<1x128xf32, #tpu.memory_space<vmem>>, vector<1x128xf32>
      tpu.vector_store %arg9[%swap3A_64, %swap3A_65], %broadcast_in_dim3A_63 {strides = array<i32>} : memref<1x128xf32, #tpu.memory_space<vmem>>, vector<1x128xf32>,
      %broadcast_in_dim3A_67 = arith.constant 0.000000e+00 : f32
      %broadcast_in_dim3A_68 = vector.broadcast %broadcast_in_dim3A_67 : f32 to vector<1x128xf32>
      %swap3A_69 = arith.constant 0 : index
      %swap3A_70 = arith.constant 0 : index
      %swap3A_71 = vector.load %arg10[%swap3A_69, %swap3A_70] : memref<1x128xf32, #tpu.memory_space<vmem>>, vector<1x128xf32>
      tpu.vector_store %arg10[%swap3A_69, %swap3A_70], %broadcast_in_dim3A_68 {strides = array<i32>} : memref<1x128xf32, #tpu.memory_space<vmem>>, vector<1x128xf32>,
    } else {
    }
    %get3A_43 = arith.constant 0 : index
    %get3A_44 = arith.constant 0 : index
    %get3A_45 = vector.load %arg9[%get3A_43, %get3A_44] : memref<1x128xf32, #tpu.memory_space<vmem>>, vector<1x128xf32>
    %reduce_sum3A = arith.constant dense<0.000000e+00> : vector<128xf32>
    %reduce_sum3A_46 = vector.multi_reduction <add>, %add3A_38, %reduce_sum3A [0] : vector<2000x128xf32> to vector<128xf32>
    %broadcast_in_dim3A = vector.shape_cast %reduce_sum3A_46 : vector<128xf32> to vector<1x128xf32>
    %add3A_47 = arith.addf %get3A_45, %broadcast_in_dim3A : vector<1x128xf32>
    %swap3A_48 = arith.constant 0 : index
    %swap3A_49 = arith.constant 0 : index
    %swap3A_50 = vector.load %arg9[%swap3A_48, %swap3A_49] : memref<1x128xf32, #tpu.memory_space<vmem>>, vector<1x128xf32>
    tpu.vector_store %arg9[%swap3A_48, %swap3A_49], %add3A_47 {strides = array<i32>} : memref<1x128xf32, #tpu.memory_space<vmem>>, vector<1x128xf32>,
    %get3A_51 = arith.constant 0 : index
    %get3A_52 = arith.constant 0 : index
    %get3A_53 = vector.load %arg10[%get3A_51, %get3A_52] : memref<1x128xf32, #tpu.memory_space<vmem>>, vector<1x128xf32>
    %mul3A_54 = arith.mulf %add3A_38, %add3A_38 : vector<2000x128xf32>
    %reduce_sum3A_55 = arith.constant dense<0.000000e+00> : vector<128xf32>
    %reduce_sum3A_56 = vector.multi_reduction <add>, %mul3A_54, %reduce_sum3A_55 [0] : vector<2000x128xf32> to vector<128xf32>
    %broadcast_in_dim3A_57 = vector.shape_cast %reduce_sum3A_56 : vector<128xf32> to vector<1x128xf32>
    %add3A_58 = arith.addf %get3A_53, %broadcast_in_dim3A_57 : vector<1x128xf32>
    %swap3A_59 = arith.constant 0 : index
    %swap3A_60 = arith.constant 0 : index
    %swap3A_61 = vector.load %arg10[%swap3A_59, %swap3A_60] : memref<1x128xf32, #tpu.memory_space<vmem>>, vector<1x128xf32>
    tpu.vector_store %arg10[%swap3A_59, %swap3A_60], %add3A_58 {strides = array<i32>} : memref<1x128xf32, #tpu.memory_space<vmem>>, vector<1x128xf32>,
    return
  }
  func.func @transform_0(%arg0: i32) -> (i32, i32) {
    %c0_i32 = arith.constant 0 : i32
    %c0_i32_0 = arith.constant 0 : i32
    return %arg0, %c0_i32 : i32, i32
  }
  func.func @transform_1(%arg0: i32) -> (i32, i32) {
    %c0_i32 = arith.constant 0 : i32
    %c0_i32_0 = arith.constant 0 : i32
    %c0_i32_1 = arith.constant 0 : i32
    return %c0_i32, %c0_i32_0 : i32, i32
  }
  func.func @transform_2(%arg0: i32) -> (i32, i32) {
    %c0_i32 = arith.constant 0 : i32
    %c0_i32_0 = arith.constant 0 : i32
    %c0_i32_1 = arith.constant 0 : i32
    return %c0_i32, %c0_i32_0 : i32, i32
  }
  func.func @transform_3(%arg0: i32) -> (i32, i32) {
    %c0_i32 = arith.constant 0 : i32
    %c0_i32_0 = arith.constant 0 : i32
    %c0_i32_1 = arith.constant 0 : i32
    return %c0_i32, %c0_i32_0 : i32, i32
  }
  func.func @transform_4(%arg0: i32) -> (i32, i32) {
    %c0_i32 = arith.constant 0 : i32
    %c0_i32_0 = arith.constant 0 : i32
    %c0_i32_1 = arith.constant 0 : i32
    return %c0_i32, %c0_i32_0 : i32, i32
  }
  func.func @transform_5(%arg0: i32) -> (i32, i32) {
    %c0_i32 = arith.constant 0 : i32
    %c0_i32_0 = arith.constant 0 : i32
    %c0_i32_1 = arith.constant 0 : i32
    return %c0_i32, %c0_i32_0 : i32, i32
  }
  func.func @transform_6(%arg0: i32) -> (i32, i32) {
    %c0_i32 = arith.constant 0 : i32
    %c0_i32_0 = arith.constant 0 : i32
    %c0_i32_1 = arith.constant 0 : i32
    return %c0_i32, %c0_i32_0 : i32, i32
  }
  func.func @transform_7(%arg0: i32) -> (i32, i32) {
    %c0_i32 = arith.constant 0 : i32
    %c0_i32_0 = arith.constant 0 : i32
    return %arg0, %c0_i32 : i32, i32
  }
  func.func @transform_8(%arg0: i32) -> (i32, i32) {
    %c0_i32 = arith.constant 0 : i32
    %c0_i32_0 = arith.constant 0 : i32
    %c0_i32_1 = arith.constant 0 : i32
    return %c0_i32, %c0_i32_0 : i32, i32
  }
  func.func @transform_9(%arg0: i32) -> (i32, i32) {
    %c0_i32 = arith.constant 0 : i32
    %c0_i32_0 = arith.constant 0 : i32
    %c0_i32_1 = arith.constant 0 : i32
    return %c0_i32, %c0_i32_0 : i32, i32
  }
}

module attributes {stable_mosaic.version = 14 : i64} {
  func.func @_bn2_body(%arg0: i32, %arg1: memref<2000x128xf32, #tpu.memory_space<vmem>>, %arg2: memref<1x128xf32, #tpu.memory_space<vmem>>, %arg3: memref<1x128xf32, #tpu.memory_space<vmem>>, %arg4: memref<1x128xf32, #tpu.memory_space<vmem>>, %arg5: memref<1x128xf32, #tpu.memory_space<vmem>>, %arg6: memref<2000x128xf32, #tpu.memory_space<vmem>>, %arg7: memref<2000x128xf32, #tpu.memory_space<vmem>>) attributes {dimension_semantics = [#tpu.dimension_semantics<arbitrary>], iteration_bounds = array<i64: 10>, scalar_prefetch = 0 : i64, scratch_operands = 0 : i64, tpu.core_type = #tpu.core_type<tc>, window_params = [{transform_indices = @transform_0, window_bounds = array<i64: 2000, 128>}, {pipeline_mode = #tpu.pipeline_mode<synchronous>, transform_indices = @transform_1, window_bounds = array<i64: 1, 128>}, {pipeline_mode = #tpu.pipeline_mode<synchronous>, transform_indices = @transform_2, window_bounds = array<i64: 1, 128>}, {pipeline_mode = #tpu.pipeline_mode<synchronous>, transform_indices = @transform_3, window_bounds = array<i64: 1, 128>}, {pipeline_mode = #tpu.pipeline_mode<synchronous>, transform_indices = @transform_4, window_bounds = array<i64: 1, 128>}, {transform_indices = @transform_5, window_bounds = array<i64: 2000, 128>}, {transform_indices = @transform_6, window_bounds = array<i64: 2000, 128>}]} {
    %get3A = arith.constant 0 : index
    %get3A_0 = arith.constant 0 : index
    %get3A_1 = vector.load %arg2[%get3A, %get3A_0] : memref<1x128xf32, #tpu.memory_space<vmem>>, vector<1x128xf32>
    %div3A = arith.constant 2.000000e+04 : f32
    %div3A_2 = vector.broadcast %div3A : f32 to vector<1x128xf32>
    %div3A_3 = arith.divf %get3A_1, %div3A_2 : vector<1x128xf32>
    %get3A_4 = arith.constant 0 : index
    %get3A_5 = arith.constant 0 : index
    %get3A_6 = vector.load %arg3[%get3A_4, %get3A_5] : memref<1x128xf32, #tpu.memory_space<vmem>>, vector<1x128xf32>
    %div3A_7 = arith.constant 2.000000e+04 : f32
    %div3A_8 = vector.broadcast %div3A_7 : f32 to vector<1x128xf32>
    %div3A_9 = arith.divf %get3A_6, %div3A_8 : vector<1x128xf32>
    %mul3A = arith.mulf %div3A_3, %div3A_3 : vector<1x128xf32>
    %sub3A = arith.subf %div3A_9, %mul3A : vector<1x128xf32>
    %add3A = arith.constant 9.99999974E-6 : f32
    %add3A_10 = vector.broadcast %add3A : f32 to vector<1x128xf32>
    %add3A_11 = arith.addf %sub3A, %add3A_10 : vector<1x128xf32>
    %rsqrt3A = math.rsqrt %add3A_11 : vector<1x128xf32>
    %get3A_12 = arith.constant 0 : index
    %get3A_13 = arith.constant 0 : index
    %get3A_14 = vector.load %arg1[%get3A_12, %get3A_13] : memref<2000x128xf32, #tpu.memory_space<vmem>>, vector<2000x128xf32>
    %sub3A_15 = vector.broadcast %div3A_3 : vector<1x128xf32> to vector<2000x128xf32>
    %sub3A_16 = arith.subf %get3A_14, %sub3A_15 : vector<2000x128xf32>
    %get3A_17 = arith.constant 0 : index
    %get3A_18 = arith.constant 0 : index
    %get3A_19 = vector.load %arg4[%get3A_17, %get3A_18] : memref<1x128xf32, #tpu.memory_space<vmem>>, vector<1x128xf32>
    %mul3A_20 = arith.mulf %rsqrt3A, %get3A_19 : vector<1x128xf32>
    %mul3A_21 = vector.broadcast %mul3A_20 : vector<1x128xf32> to vector<2000x128xf32>
    %mul3A_22 = arith.mulf %sub3A_16, %mul3A_21 : vector<2000x128xf32>
    %get3A_23 = arith.constant 0 : index
    %get3A_24 = arith.constant 0 : index
    %get3A_25 = vector.load %arg5[%get3A_23, %get3A_24] : memref<1x128xf32, #tpu.memory_space<vmem>>, vector<1x128xf32>
    %add3A_26 = vector.broadcast %get3A_25 : vector<1x128xf32> to vector<2000x128xf32>
    %add3A_27 = arith.addf %mul3A_22, %add3A_26 : vector<2000x128xf32>
    %get3A_28 = arith.constant 0 : index
    %get3A_29 = arith.constant 0 : index
    %get3A_30 = vector.load %arg6[%get3A_28, %get3A_29] : memref<2000x128xf32, #tpu.memory_space<vmem>>, vector<2000x128xf32>
    %add3A_31 = arith.addf %add3A_27, %get3A_30 : vector<2000x128xf32>
    %swap3A = arith.constant 0 : index
    %swap3A_32 = arith.constant 0 : index
    %swap3A_33 = vector.load %arg7[%swap3A, %swap3A_32] : memref<2000x128xf32, #tpu.memory_space<vmem>>, vector<2000x128xf32>
    tpu.vector_store %arg7[%swap3A, %swap3A_32], %add3A_31 {strides = array<i32>} : memref<2000x128xf32, #tpu.memory_space<vmem>>, vector<2000x128xf32>,
    return
  }
  func.func @transform_0(%arg0: i32) -> (i32, i32) {
    %c0_i32 = arith.constant 0 : i32
    %c0_i32_0 = arith.constant 0 : i32
    return %arg0, %c0_i32 : i32, i32
  }
  func.func @transform_1(%arg0: i32) -> (i32, i32) {
    %c0_i32 = arith.constant 0 : i32
    %c0_i32_0 = arith.constant 0 : i32
    %c0_i32_1 = arith.constant 0 : i32
    return %c0_i32, %c0_i32_0 : i32, i32
  }
  func.func @transform_2(%arg0: i32) -> (i32, i32) {
    %c0_i32 = arith.constant 0 : i32
    %c0_i32_0 = arith.constant 0 : i32
    %c0_i32_1 = arith.constant 0 : i32
    return %c0_i32, %c0_i32_0 : i32, i32
  }
  func.func @transform_3(%arg0: i32) -> (i32, i32) {
    %c0_i32 = arith.constant 0 : i32
    %c0_i32_0 = arith.constant 0 : i32
    %c0_i32_1 = arith.constant 0 : i32
    return %c0_i32, %c0_i32_0 : i32, i32
  }
  func.func @transform_4(%arg0: i32) -> (i32, i32) {
    %c0_i32 = arith.constant 0 : i32
    %c0_i32_0 = arith.constant 0 : i32
    %c0_i32_1 = arith.constant 0 : i32
    return %c0_i32, %c0_i32_0 : i32, i32
  }
  func.func @transform_5(%arg0: i32) -> (i32, i32) {
    %c0_i32 = arith.constant 0 : i32
    %c0_i32_0 = arith.constant 0 : i32
    return %arg0, %c0_i32 : i32, i32
  }
  func.func @transform_6(%arg0: i32) -> (i32, i32) {
    %c0_i32 = arith.constant 0 : i32
    %c0_i32_0 = arith.constant 0 : i32
    return %arg0, %c0_i32 : i32, i32
  }
}

</mosaic_0001>

<sc_bundles>
// kernel: kernel.11.cloned.1.call-start
scs
__scs_entry_jumppad:
0x0: {  	(pc) =	sbr.rel $0x88, $3  }
0x1: {  	(tag) =	ssettag $0x0;
	lr =	simm.s32 $0x1  }
0x2: {  	[smem:$0x3F89] =	sst lr;
	_ =	strace $0xD0000000  }
0x3: {  	_ = 	snop  }
0x4: {  	_ = 	snop  }
0x5: {  	_ = 	snop  }
0x6: {  	_ = 	snop  }
0x7: {  	_ = 	snop  }
__scs_overlays_trampoline_lowered:
0x8: {  	[smem:$0x3F98] =	sst s0  }
0x9: {  	[smem:$0x3F99] =	sst s1  }
0xa: {  	[smem:$0x3F9A] =	sst s2  }
0xb: {  	[smem:$0x3F9B] =	sst s3  }
0xc: {  	[smem:$0x3F9C] =	sst s4  }
0xd: {  	[smem:$0x3F9D] =	sst s5  }
0xe: {  	[smem:$0x3F9E] =	sst s6  }
0xf: {  	[smem:$0x3F9F] =	sst s7  }
0x10: {  	[smem:$0x3FA0] =	sst s8  }
0x11: {  	[smem:$0x3FA1] =	sst s9;
	s0 =	simm.s32 @!p0 $0x0  }
0x12: {  	s1 =	sld [smem:$0x3F87];
	s0 =	simm.s32 @p0 $0x1  }
0x13: {  	[smem:$0x3FA2] =	sst s0;
	s0 =	simm.s32 @!p1 $0x0  }
0x14: {  	s2 =	sld [smem:$0x3F86];
	s0 =	simm.s32 @p1 $0x1  }
0x15: {  	[smem:$0x3FA3] =	sst s0;
	s0 =	simm.s32 @!p2 $0x0  }
0x16: {  	s3 =	sld [smem:$0x3FDB];
	s0 =	simm.s32 @p2 $0x1  }
0x17: {  	s4 =	simm.s32 $0x1BF5;
	[smem:$0x3FA5] =	sst s0  }
0x18: {  	s0 =	sld [smem:$0x3F88];
	_ =	swait.ge [sflag:s4], $0x0  }
0x19: {  	s7 =	sld [smem:$0x3F89]  }
0x1a: {  	s8 =	sadd.s32 $0xFFFFE003, lr  }
0x1b: {  	s9 =	sadd.s32 $0xFFFFFEF7, lr;
	s5 =	simm.s32 $0xFFFFFFFF;
	p2 =	slt.u32 s8, $0xFFFFF086  }
0x1c: {  	p1 =	slt.u32 s9, $0xF7A;
	s5 =	simm.s32 @!p2 $0x0  }
0x1d: {  	s5 =	simm.s32 @p1 $0x1;
	p0 =	seq.s32 s7, s2  }
0x1e: {  	s7 =	smul.u32 @!p0 $0xF7A, s2;
	p2 =	seq.s32 @!p0 s5, $0x0  }
0x1f: {  	s9 =	smul.u32 $0xF7A, s1;
	s8 =	simm.s32 @!p0 $0x1BF5;
	p2 =	por !p2, p0  }
0x20: {  	[sflag:s8] =	ssyncset.s32 @!p0 $0xFFFFF086;
	s6 =	sadd.s32 @!p0 s3, s7;
	s7 =	simm.s32 @!p0 $0x108  }
0x21: {  	s3 =	sadd.s32 s3, s9;
	s6 =	sadd.s32 @!p0 $0x88, s6;
	s7 =	simm.s32 @p2 $0x1082  }
0x22: {  	[simem:s7], [sflag:s8] =	dma.local @!p0 [hbm:s6], $0xF7A  }
0x23: {  	s9 =	sor.u32 $0xD0000000, s2;
	s6 =	simm.s32 $0x108;
	_ =	swait.ge @!p0 [sflag:s8], $0x0  }
0x24: {  	s3 =	sadd.s32 $0x88, s3;
	s6 =	simm.s32 @!p1 $0x1082;
	[sflag:s4] =	ssyncset.s32 $0xFFFFF086  }
0x25: {  	[simem:s6], [sflag:s4] =	dma.local [hbm:s3], $0xF7A  }
0x26: {  	[smem:$0x3F89] =	sst s1;
	(tag) =	ssettag s2;
	_ =	strace s9  }
0x27: {  	s1 =	sld [smem:$0x3F99]  }
0x28: {  	s2 =	sld [smem:$0x3F9A]  }
0x29: {  	s4 =	sld [smem:$0x3F9C]  }
0x2a: {  	p0 =	seq.s32 s5, $0x0;
	s5 =	sld [smem:$0x3F9D]  }
0x2b: {  	s6 =	sld [smem:$0x3F9E]  }
0x2c: {  	s7 =	sld [smem:$0x3F9F]  }
0x2d: {  	s3 =	simm.s32 $0x108;
	s8 =	sld [smem:$0x3FA0]  }
0x2e: {  	s3 =	simm.s32 @!p0 $0x1082;
	s9 =	sld [smem:$0x3FA1]  }
0x2f: {  	lr =	sadd.s32 s0, s3;
	s0 =	sld [smem:$0x3F98]  }
0x30: {  	s3 =	sld [smem:$0x3F9B]  }
0x31: {  	[smem:$0x3FA4] =	sst s10  }
0x32: {  	s10 =	sld [smem:$0x3FA2];
	_ =	sdelay $0x3  }
0x33: {  	p0 =	seq.s32 s10, $0x1;
	s10 =	sld [smem:$0x3FA4];
	_ =	sdelay $0x3  }
0x34: {  	[smem:$0x3FA4] =	sst s10  }
0x35: {  	s10 =	sld [smem:$0x3FA3];
	_ =	sdelay $0x3  }
0x36: {  	p1 =	seq.s32 s10, $0x1;
	s10 =	sld [smem:$0x3FA4];
	_ =	sdelay $0x3  }
0x37: {  	[smem:$0x3FA4] =	sst s10  }
0x38: {  	s10 =	sld [smem:$0x3FA5]  }
0x39: {  	_ = 	snop;
	(pc) =	sbr.ind lr, $3  }
0x3a: {  	_ = 	snop  }
0x3b: {  	_ = 	snop  }
0x3c: {  	p2 =	seq.s32 s10, $0x1;
	s10 =	sld [smem:$0x3FA4]  }
0x3d: {  	_ =	shalt  }
0x3e: {  	_ =	shalt  }
0x3f: {  	_ =	shalt  }
0x40: {  	_ =	shalt  }
0x41: {  	_ =	shalt  }
0x42: {  	_ =	shalt  }
0x43: {  	_ =	shalt  }
0x44: {  	_ =	shalt  }
0x45: {  	_ =	shalt  }
0x46: {  	_ =	shalt  }
0x47: {  	_ =	shalt  }
0x48: {  	_ =	shalt  }
0x49: {  	_ =	shalt  }
0x4a: {  	_ =	shalt  }
0x4b: {  	_ =	shalt  }
0x4c: {  	_ =	shalt  }
0x4d: {  	_ =	shalt  }
0x4e: {  	_ =	shalt  }
0x4f: {  	_ =	shalt  }
0x50: {  	_ =	shalt  }
0x51: {  	_ =	shalt  }
0x52: {  	_ =	shalt  }
0x53: {  	_ =	shalt  }
0x54: {  	_ =	shalt  }
0x55: {  	_ =	shalt  }
0x56: {  	_ =	shalt  }
0x57: {  	_ =	shalt  }
0x58: {  	_ =	shalt  }
0x59: {  	_ =	shalt  }
0x5a: {  	_ =	shalt  }
0x5b: {  	_ =	shalt  }
0x5c: {  	_ =	shalt  }
0x5d: {  	_ =	shalt  }
0x5e: {  	_ =	shalt  }
0x5f: {  	_ =	shalt  }
0x60: {  	_ =	shalt  }
0x61: {  	_ =	shalt  }
0x62: {  	_ =	shalt  }
0x63: {  	_ =	shalt  }
0x64: {  	_ =	shalt  }
0x65: {  	_ =	shalt  }
0x66: {  	_ =	shalt  }
0x67: {  	_ =	shalt  }
0x68: {  	_ =	shalt  }
0x69: {  	_ =	shalt  }
0x6a: {  	_ =	shalt  }
0x6b: {  	_ =	shalt  }
0x6c: {  	_ =	shalt  }
0x6d: {  	_ =	shalt  }
0x6e: {  	_ =	shalt  }
0x6f: {  	_ =	shalt  }
0x70: {  	_ =	shalt  }
0x71: {  	_ =	shalt  }
0x72: {  	_ =	shalt  }
0x73: {  	_ =	shalt  }
0x74: {  	_ =	shalt  }
0x75: {  	_ =	shalt  }
0x76: {  	_ =	shalt  }
0x77: {  	_ =	shalt  }
0x78: {  	_ =	shalt  }
0x79: {  	_ =	shalt  }
0x7a: {  	_ =	shalt  }
0x7b: {  	_ =	shalt  }
0x7c: {  	_ =	shalt  }
0x7d: {  	_ =	shalt  }
0x7e: {  	_ =	shalt  }
0x7f: {  	_ =	shalt  }
0x80: {  	_ =	shalt  }
0x81: {  	_ =	shalt  }
0x82: {  	_ =	shalt  }
0x83: {  	_ =	shalt  }
0x84: {  	_ =	shalt  }
0x85: {  	_ =	shalt  }
0x86: {  	_ =	shalt  }
0x87: {  	_ =	shalt  }
.Lfunc_end0:
.L_simem_size_0:
called_computation_lowered:
.L_overlay_start_0:
0x88: {  	s2 =	sld [smem:$0x3FD9]  }
0x89: {  	s3 =	sld [smem:$0x3FFE];
	_ =	sdelay $0x1  }
0x8a: {  	s1 =	srdreg.scid  }
0x8b: {  	s0 =	sand.u32 $0x1, s1  }
0x8c: {  	s17 =	sshll.u32 s0, $0xA;
	s2 =	sadd.s32 s3, s2  }
0x8d: {  	s2 =	sadd.s32 s2, s17  }
0x8e: {  	[smem:$0x3FB0] =	sst s2  }
0x8f: {  	_ = 	snop  }
0x90: {  	s2 =	sld [smem:$0x3FD0];
	(tm) =	ssettm $0x1  }
0x91: {  	s18 =	sld [smem:$0x3FFB];
	_ =	sdelay $0x3  }
0x92: {  	_ =	strace s18  }
0x93: {  	s3 =	sld [smem:$0x3FFC];
	_ =	sdelay $0x3  }
0x94: {  	_ =	strace s3  }
0x95: {  	s3 =	sld [smem:$0x3FFD];
	_ =	sdelay $0x3  }
0x96: {  	_ =	strace s3  }
0x97: {  	_ =	strace $0x8FFFFFFF  }
0x98: {  	s19 =	sld [smem:$0x3FDB];
	_ =	sdelay $0x1  }
0x99: {  	s4 =	simm.s32 $_scs_section_size  }
0x9a: {  	s5 =	simm.s32 $_size__tile_overlayer_lowered;
	s6 =	simm.s32 $_tile_overlayer_lowered  }
0x9b: {  	s22 =	simm.s32 $0x1BFF;
	s21 =	sshll.u32 s6, $0x1;
	s3 =	sadd.s32 s4, s19  }
0x9c: {  	s7 =	simm.s32 $0x0;
	s20 =	sshll.u32 s5, $0x1;
	s5 =	sadd.s32 s21, s3  }
0x9d: {  	[timem:s7], [sflag:s22] =	dma.local [hbm:s5], s20  }
0x9e: {  	_ =	swait.ge [sflag:s22], s20  }
0x9f: {  	s4 =	ssub.s32 $0x0, s20;
	[sflag:s22] =	ssyncset.done $0x0  }
0xa0: {  	[sflag:s22] =	ssyncadd.s32 s4;
	_ =	sdelay $0x1  }
0xa1: {  	s23 =	simm.s32 $0x1B8B  }
0xa2: {  	_ =	swait.ge [sflag:s23], $0x1  }
0xa3: {  	[sflag:s23] =	ssyncset.done $0x0  }
0xa4: {  	s25 =	simm.s32 $0x1B8E;
	s24 =	sld [smem:$0x3FFE];
	[sflag:s23] =	ssyncadd.s32 $0xFFFFFFFF  }
0xa5: {  	s26 =	simm.s32 $execute0_lowered;
	[smem:$0x3FD2] =	sst s25  }
0xa6: {  	s5 =	sshll.u32 s26, $0x1;
	_ =	strace $0x80000046;
	[dreg:$0x1] =	wrdreg $0xFFFFFFFF  }
0xa7: {  	s28 =	simm.s32 $_size_execute0_lowered;
	s3 =	sadd.s32 s3, s5;
	[dreg:$0x0] =	wrdreg $0x0  }
0xa8: {  	s5 =	sshll.u32 s28, $0x1;
	[dreg:$0x2] =	wrdreg s3  }
0xa9: {  	[dreg:$0x3] =	wrdreg s5  }
0xaa: {  	[dreg:$0x4] =	wrdreg $0xC0  }
0xab: {  	_ =	task [dreg:s7], $0x5FFFF  }
0xac: {  	[dreg:$0x1] =	wrdreg $0xFFFFFFFF  }
0xad: {  	[dreg:$0x0] =	wrdreg $0x60  }
0xae: {  	[dreg:$0x2] =	wrdreg s2  }
0xaf: {  	[dreg:$0x3] =	wrdreg s24  }
0xb0: {  	[dreg:$0x4] =	wrdreg $0x9  }
0xb1: {  	_ =	task.clear_ibuf [dreg:s7], $0x5FFFF;
	_ =	strace $0x90000046  }
0xb2: {  	s29 =	simm.s32 $0x9;
	_ =	strace $0x80000048  }
0xb3: {  	_ =	swait.ge [sflag:s29], $0x1  }
0xb4: {  	[sflag:s29] =	ssyncadd.s32 $0xFFFFFFFF  }
0xb5: {  	_ =	strace $0x90000048  }
0xb6: {  	_ =	sfence  }
0xb7: {  	s30 =	sld [smem:$0x0];
	_ =	sdelay $0x2  }
0xb8: {  	s31 =	sshll.u32 s1, $0xD;
	s1 =	sshrl.u32 s1, $0x2  }
0xb9: {  	s3 =	sand.u32 $0x4000, s31;
	s1 =	sadd.s32 s1, s30  }
0xba: {  	s0 =	sor.u32 s3, s0;
	s1 =	sshll.u32 s1, $0x11  }
0xbb: {  	s0 =	sor.u32 s1, s0  }
0xbc: {  	s0 =	sadd.s32 $0x8F2B, s0  }
0xbd: {  	[sflag:s0] =	ssyncadd.remote.s32 $0x1  }
0xbe: {  	_ =	sfence.sel $0xFFFF  }
0xbf: {  	[dreg:$0x0] =	wrdreg $0xFFFFFFFF;
	(pc) =	sbr.abs _section_cstart, $3  }
0xc0: {  	[dreg:$0x1] =	wrdreg $0xFFFFFFFF  }
0xc1: {  	_ =	task.clear_ibuf [dreg:s7], $0x2FFFF;
	_ =	strace $0x9FFFFFFF  }
0xc2: {  	(tm) =	ssettm $0x7FFFFFFF  }
0xc3: {  	_ =	shalt  }
tec
execute0_lowered:
.L_overlay_start_1:
0x0: {  	(tag) =	ssettag $0x1  }
0x1: {  	s1 =	srdreg.scid;
	s2 =	rddreg [dreg:$0x0]  }
0x2: {  	s0 =	stileid.u32;
	s4 =	rddreg [dreg:$0x1]  }
0x3: {  	s3 =	simm.s32 $0x0;
	s14 =	simm.s32 $0x3580;
	s15 =	simm.s32 $0x50  }
0x4: {  	s16 =	simm.s32 $0x4980;
	s17 =	simm.s32 $0x1;
	s18 =	simm.s32 $0x78  }
0x5: {  	s19 =	simm.s32 $0x5D80;
	s20 =	simm.s32 $0x2;
	s21 =	simm.s32 $0x5  }
0x6: {  	s22 =	simm.s32 $0x3;
	s23 =	simm.s32 $0x6;
	s24 =	simm.s32 $0x4  }
0x7: {  	s25 =	simm.s32 $0x7;
	s28 =	simm.s32 $0x0;
	s6 =	sand.u32 $0x1, s1  }
0x8: {  	s26 =	sshll.u32 s0, $0x1;
	[smem:$0x7FF] =	sst s3;
	s12 =	smul.u32 $0x42400, s0  }
0x9: {  	s9 =	sadd.s32 $0x6B200, s4;
	s5 =	sor.u32 s6, s26;
	s13 =	smul.u32 $0x21200, s6  }
0xa: {  	_ =	strace $0x80000047;
	s29 =	ssub.s32 $0x2, s6;
	s7 =	smul.u32 $0x2120, s5  }
0xb: {  	s26 =	simm.s32 $0x8;
	s8 =	smul.u32 $0x109000, s5;
	s10 =	sshrl.u32 s29, $0x1  }
0xc: {  	s11 =	smul.u32 $0x21200, s5;
	s30 =	sadd.s32 s12, s9;
	s12 =	simm.s32 $0x28  }
0xd: {  	s10 =	ssub.s32 s29, s10;
	s7 =	sshrl.u32 s7, $0x3;
	s8 =	sshrl.u32 s8, $0x3  }
0xe: {  	s31 =	sadd.s32 s13, s30;
	s7 =	sadd.s32 s7, s4;
	s8 =	sadd.s32 s9, s8  }
0xf: {  	s13 =	simm.s32 $0x2180;
	s4 =	sadd.s32 $0x14A00, s7;
	s5 =	sadd.s32 $0x20D00, s8  }
0x10: {  	s6 =	sadd.s32 $0x20F80, s8;
	s7 =	sadd.s32 s9, s11;
	s8 =	smax.u32 s10, $0x1  }
0x11: {  	s10 =	sadd.s32 $0x780, s31;
	s11 =	simm.s32 $0x9;
	s9 =	sadd.s32 $0x280, s7  }
.LBB2_1:
0x12: {  	[tilespmem:s3], [sflag:$0x9] =	stream.linear.gather [hbm4b:s4+s3], $0x2120, $0x38;
	[tilespmem:$0x7180] =	vst v63  }
0x13: {  	_ =	swait.ge [sflag:s11], $0x2120  }
0x14: {  	[sflag:s11] =	ssyncset.done $0x0  }
0x15: {  	[sflag:s11] =	ssyncadd.s32 $0xFFFFDEE0  }
0x16: {  	[tilespmem:s13], [sflag:$0x1] =	stream.indirect.gather [hbm4b:s2+s12], $0x80, s3, s12, $0xb8;
	[tilespmem:$0x7180] =	vst v63  }
0x17: {  	_ = 	snop  }
0x18: {  	[tilespmem:s14], [sflag:$0x2] =	stream.indirect.gather [hbm4b:s2+s12], $0x80, s12, s12, $0xb8;
	[tilespmem:$0x7180] =	vst v63  }
0x19: {  	_ = 	snop  }
0x1a: {  	[tilespmem:s16], [sflag:$0x3] =	stream.indirect.gather [hbm4b:s2+s12], $0x80, s15, s12, $0xb8;
	[tilespmem:$0x7180] =	vst v63  }
0x1b: {  	_ =	swait.ge [sflag:s17], $0x1400  }
0x1c: {  	[sflag:s17] =	ssyncset.done $0x0  }
0x1d: {  	[sflag:s17] =	ssyncadd.s32 $0xFFFFEC00  }
0x1e: {  	[hbm4b:s7+s3] =	stream.linear.scatter [tilespmem:s13], [sflag:$0x5], $0x1400, $0x38;
	[tilespmem:$0x7180] =	vst v63  }
0x1f: {  	_ = 	snop  }
0x20: {  	[tilespmem:s19], [sflag:$0x4] =	stream.indirect.gather [hbm4b:s2+s12], $0x80, s18, s12, $0xb8;
	[tilespmem:$0x7180] =	vst v63  }
0x21: {  	_ =	swait.ge [sflag:s20], $0x1400  }
0x22: {  	[sflag:s20] =	ssyncset.done $0x0  }
0x23: {  	[sflag:s20] =	ssyncadd.s32 $0xFFFFEC00  }
0x24: {  	[hbm4b:s9+s3] =	stream.linear.scatter [tilespmem:s14], [sflag:$0x6], $0x1400, $0x38;
	[tilespmem:$0x7180] =	vst v63  }
0x25: {  	_ =	swait.ge [sflag:s21], $0x1400  }
0x26: {  	[sflag:s21] =	ssyncset.done $0x0  }
0x27: {  	s29 =	simm.s32 $0xA0;
	[sflag:s21] =	ssyncadd.s32 $0xFFFFEC00  }
0x28: {  	[tilespmem:s13], [sflag:$0x1] =	stream.indirect.gather [hbm4b:s2+s12], $0x80, s29, s12, $0xb8;
	[tilespmem:$0x7180] =	vst v63  }
0x29: {  	_ =	swait.ge [sflag:s22], $0x1400  }
0x2a: {  	[sflag:s22] =	ssyncset.done $0x0  }
0x2b: {  	s29 =	sadd.s32 $0xFFFFFD80, s10;
	[sflag:s22] =	ssyncadd.s32 $0xFFFFEC00  }
0x2c: {  	[hbm4b:s29+s3] =	stream.linear.scatter [tilespmem:s16], [sflag:$0x7], $0x1400, $0x38;
	[tilespmem:$0x7180] =	vst v63  }
0x2d: {  	_ =	swait.ge [sflag:s23], $0x1400  }
0x2e: {  	[sflag:s23] =	ssyncset.done $0x0  }
0x2f: {  	s29 =	simm.s32 $0xC8;
	[sflag:s23] =	ssyncadd.s32 $0xFFFFEC00  }
0x30: {  	[tilespmem:s14], [sflag:$0x2] =	stream.indirect.gather [hbm4b:s2+s12], $0x80, s29, s12, $0xb8;
	[tilespmem:$0x7180] =	vst v63  }
0x31: {  	_ =	swait.ge [sflag:s24], $0x1400  }
0x32: {  	[sflag:s24] =	ssyncset.done $0x0  }
0x33: {  	[sflag:s24] =	ssyncadd.s32 $0xFFFFEC00  }
0x34: {  	[hbm4b:s10+s3] =	stream.linear.scatter [tilespmem:s19], [sflag:$0x8], $0x1400, $0x38;
	[tilespmem:$0x7180] =	vst v63  }
0x35: {  	_ =	swait.ge [sflag:s25], $0x1400  }
0x36: {  	[sflag:s25] =	ssyncset.done $0x0  }
0x37: {  	s29 =	simm.s32 $0xF0;
	[sflag:s25] =	ssyncadd.s32 $0xFFFFEC00  }
0x38: {  	[tilespmem:s16], [sflag:$0x3] =	stream.indirect.gather [hbm4b:s2+s12], $0x80, s29, s12, $0xb8;
	[tilespmem:$0x7180] =	vst v63  }
0x39: {  	_ =	swait.ge [sflag:s17], $0x1400  }
0x3a: {  	[sflag:s17] =	ssyncset.done $0x0  }
0x3b: {  	s29 =	sadd.s32 $0x280, s10;
	[sflag:s17] =	ssyncadd.s32 $0xFFFFEC00  }
0x3c: {  	[hbm4b:s29+s3] =	stream.linear.scatter [tilespmem:s13], [sflag:$0x5], $0x1400, $0x38;
	[tilespmem:$0x7180] =	vst v63  }
0x3d: {  	_ =	swait.ge [sflag:s26], $0x1400  }
0x3e: {  	[sflag:s26] =	ssyncset.done $0x0  }
0x3f: {  	s29 =	simm.s32 $0x118;
	[sflag:s26] =	ssyncadd.s32 $0xFFFFEC00  }
0x40: {  	[tilespmem:s19], [sflag:$0x4] =	stream.indirect.gather [hbm4b:s2+s12], $0x80, s29, s12, $0xb8;
	[tilespmem:$0x7180] =	vst v63  }
0x41: {  	_ =	swait.ge [sflag:s20], $0x1400  }
0x42: {  	s31 =	sadd.s32 $0x500, s10;
	[sflag:s20] =	ssyncset.done $0x0  }
0x43: {  	s30 =	sadd.s32 $0xA00, s10;
	s29 =	simm.s32 $0x280;
	[sflag:s20] =	ssyncadd.s32 $0xFFFFEC00  }
.LBB2_2:
0x44: {  	[hbm4b:s31+s3] =	stream.linear.scatter [tilespmem:s14], [sflag:$0x6], $0x1400, $0x38;
	[tilespmem:$0x7180] =	vst v63  }
0x45: {  	s31 =	smov.u32 s29  }
0x46: {  	p0 =	sne.s32 s29, $0x7F80;
	s29 =	sadd.s32 $0x280, s29;
	_ =	swait.ge [sflag:s21], $0x1400  }
0x47: {  	s31 =	sshra.s32 s31, $0x2;
	[sflag:s21] =	ssyncset.done $0x0  }
0x48: {  	s1 =	sadd.s32 $0xA0, s31;
	[sflag:s21] =	ssyncadd.s32 $0xFFFFEC00  }
0x49: {  	[tilespmem:s13], [sflag:$0x1] =	stream.indirect.gather [hbm4b:s2+s12], $0x80, s1, s12, $0xb8;
	[tilespmem:$0x7180] =	vst v63  }
0x4a: {  	_ =	swait.ge [sflag:s22], $0x1400  }
0x4b: {  	[sflag:s22] =	ssyncset.done $0x0  }
0x4c: {  	s1 =	sadd.s32 $0xFFFFFD80, s30;
	[sflag:s22] =	ssyncadd.s32 $0xFFFFEC00  }
0x4d: {  	[hbm4b:s1+s3] =	stream.linear.scatter [tilespmem:s16], [sflag:$0x7], $0x1400, $0x38;
	[tilespmem:$0x7180] =	vst v63  }
0x4e: {  	_ =	swait.ge [sflag:s23], $0x1400  }
0x4f: {  	[sflag:s23] =	ssyncset.done $0x0  }
0x50: {  	s1 =	sadd.s32 $0xC8, s31;
	[sflag:s23] =	ssyncadd.s32 $0xFFFFEC00  }
0x51: {  	[tilespmem:s14], [sflag:$0x2] =	stream.indirect.gather [hbm4b:s2+s12], $0x80, s1, s12, $0xb8;
	[tilespmem:$0x7180] =	vst v63  }
0x52: {  	_ =	swait.ge [sflag:s24], $0x1400  }
0x53: {  	[sflag:s24] =	ssyncset.done $0x0  }
0x54: {  	[sflag:s24] =	ssyncadd.s32 $0xFFFFEC00  }
0x55: {  	[hbm4b:s30+s3] =	stream.linear.scatter [tilespmem:s19], [sflag:$0x8], $0x1400, $0x38;
	[tilespmem:$0x7180] =	vst v63  }
0x56: {  	_ =	swait.ge [sflag:s25], $0x1400  }
0x57: {  	[sflag:s25] =	ssyncset.done $0x0  }
0x58: {  	s1 =	sadd.s32 $0xF0, s31;
	[sflag:s25] =	ssyncadd.s32 $0xFFFFEC00  }
0x59: {  	[tilespmem:s16], [sflag:$0x3] =	stream.indirect.gather [hbm4b:s2+s12], $0x80, s1, s12, $0xb8;
	[tilespmem:$0x7180] =	vst v63  }
0x5a: {  	_ =	swait.ge [sflag:s17], $0x1400  }
0x5b: {  	[sflag:s17] =	ssyncset.done $0x0  }
0x5c: {  	s1 =	sadd.s32 $0x280, s30;
	[sflag:s17] =	ssyncadd.s32 $0xFFFFEC00  }
0x5d: {  	[hbm4b:s1+s3] =	stream.linear.scatter [tilespmem:s13], [sflag:$0x5], $0x1400, $0x38;
	[tilespmem:$0x7180] =	vst v63  }
0x5e: {  	_ =	swait.ge [sflag:s26], $0x1400  }
0x5f: {  	[sflag:s26] =	ssyncset.done $0x0  }
.Ltmp0:
0x60: {  	s1 =	sadd.s32 $0x118, s31;
	[sflag:s26] =	ssyncadd.s32 $0xFFFFEC00;
	(pc) =	sbr.rel @p0 .LBB2_2-.Ltmp0, $4  }
0x61: {  	[tilespmem:s19], [sflag:$0x4] =	stream.indirect.gather [hbm4b:s2+s12], $0x80, s1, s12, $0xb8;
	[tilespmem:$0x7180] =	vst v63  }
0x62: {  	_ =	swait.ge [sflag:s20], $0x1400  }
0x63: {  	[sflag:s20] =	ssyncset.done $0x0  }
0x64: {  	s31 =	sadd.s32 $0x500, s30;
	s30 =	sadd.s32 $0xA00, s30;
	[sflag:s20] =	ssyncadd.s32 $0xFFFFEC00  }
0x65: {  	[hbm4b:s31+s3] =	stream.linear.scatter [tilespmem:s14], [sflag:$0x6], $0x1400, $0x38;
	[tilespmem:$0x7180] =	vst v63  }
0x66: {  	_ =	swait.ge [sflag:s22], $0x1400  }
0x67: {  	[sflag:s22] =	ssyncset.done $0x0  }
0x68: {  	[sflag:s22] =	ssyncadd.s32 $0xFFFFEC00  }
0x69: {  	[hbm4b:s5+s3] =	stream.linear.scatter [tilespmem:s16], [sflag:$0x7], $0x1400, $0x38;
	[tilespmem:$0x7180] =	vst v63  }
0x6a: {  	_ =	swait.ge [sflag:s24], $0x1400  }
0x6b: {  	[sflag:s24] =	ssyncset.done $0x0  }
0x6c: {  	[sflag:s24] =	ssyncadd.s32 $0xFFFFEC00  }
0x6d: {  	[hbm4b:s6+s3] =	stream.linear.scatter [tilespmem:s19], [sflag:$0x8], $0x1400, $0x38;
	[tilespmem:$0x7180] =	vst v63  }
0x6e: {  	_ =	swait.ge [sflag:s21], $0x1400  }
0x6f: {  	[sflag:s21] =	ssyncset.done $0x0  }
0x70: {  	[sflag:s21] =	ssyncadd.s32 $0xFFFFEC00  }
0x71: {  	_ =	swait.ge [sflag:s23], $0x1400  }
0x72: {  	[sflag:s23] =	ssyncset.done $0x0  }
0x73: {  	s28 =	sadd.s32 $0x1, s28;
	[sflag:s23] =	ssyncadd.s32 $0xFFFFEC00  }
0x74: {  	p0 =	sne.s32 s28, s8;
	_ =	swait.ge [sflag:s25], $0x1400  }
.Ltmp1:
0x75: {  	[sflag:s25] =	ssyncset.done $0x0;
	(pc) =	sbr.rel @p0 .LBB2_1-.Ltmp1, $4  }
0x76: {  	[sflag:s25] =	ssyncadd.s32 $0xFFFFEC00  }
0x77: {  	_ =	swait.ge [sflag:s26], $0x1400  }
0x78: {  	[sflag:s26] =	ssyncset.done $0x0  }
0x79: {  	[sflag:s26] =	ssyncadd.s32 $0xFFFFEC00  }
0x7a: {  	_ =	sfence.sel $0x180000  }
0x7b: {  	[bflag:$0x0] =	sbarrier.arrive $0xFFFF  }
0x7c: {  	_ =	strace $0x90000047  }
0x7d: {  	[bflag:$0x2] =	sbarrier.arrive $0xFFFF  }
0x7e: {  	p0 =	sne.s32 s0, $0x0;
	s0 =	rddreg [dreg:$0x2]  }
0x7f: {  	s0 =	sadd.s32 @!p0 $0x100000, s0  }
0x80: {  	[sflag:s0] =	ssyncadd.tile.s32 @!p0 $0x1;
	_ =	shalt  }
.Lfunc_end2:
_tile_overlayer_lowered:
.L_overlay_start_2:
0x81: {  	(tag) =	ssettag $0x2  }
0x82: {  	s0 =	rddreg [dreg:$0x0];
	s2 =	stileid.u32  }
0x83: {  	s1 =	rddreg [dreg:$0x1];
	p0 =	sne.s32 s2, $0x0  }
0x84: {  	s3 =	rddreg [dreg:$0x2];
	[bflag:$0x3] =	sbarrier.arrive $0xFFFF;
	s2 =	simm.s32 @!p0 $0x1C09  }
0x85: {  	[timem:s3], [sflag:s2] =	dma.local @!p0 [hbm:s0], s1  }
0x86: {  	s0 =	simm.s32 @!p0 $0x9  }
0x87: {  	_ =	swait.ge @!p0 [sflag:s0], s1  }
0x88: {  	s1 =	ssub.s32 @!p0 $0x0, s1;
	[sflag:s0] =	ssyncset.done @!p0 $0x0  }
0x89: {  	[sflag:s0] =	ssyncadd.s32 @!p0 s1  }
0x8a: {  	[bflag:$0x3] =	sbarrier.arrive $0xFFFF  }
0x8b: {  	_ =	shalt  }

// kernel: kernel.14.cloned.1.call-start
scs
__scs_entry_jumppad:
0x0: {  	(pc) =	sbr.rel $0x88, $3  }
0x1: {  	(tag) =	ssettag $0x0;
	lr =	simm.s32 $0x1  }
0x2: {  	[smem:$0x3F89] =	sst lr;
	_ =	strace $0xD0000000  }
0x3: {  	_ = 	snop  }
0x4: {  	_ = 	snop  }
0x5: {  	_ = 	snop  }
0x6: {  	_ = 	snop  }
0x7: {  	_ = 	snop  }
__scs_overlays_trampoline_lowered:
0x8: {  	[smem:$0x3F98] =	sst s0  }
0x9: {  	[smem:$0x3F99] =	sst s1  }
0xa: {  	[smem:$0x3F9A] =	sst s2  }
0xb: {  	[smem:$0x3F9B] =	sst s3  }
0xc: {  	[smem:$0x3F9C] =	sst s4  }
0xd: {  	[smem:$0x3F9D] =	sst s5  }
0xe: {  	[smem:$0x3F9E] =	sst s6  }
0xf: {  	[smem:$0x3F9F] =	sst s7  }
0x10: {  	[smem:$0x3FA0] =	sst s8  }
0x11: {  	[smem:$0x3FA1] =	sst s9;
	s0 =	simm.s32 @!p0 $0x0  }
0x12: {  	s1 =	sld [smem:$0x3F87];
	s0 =	simm.s32 @p0 $0x1  }
0x13: {  	[smem:$0x3FA2] =	sst s0;
	s0 =	simm.s32 @!p1 $0x0  }
0x14: {  	s2 =	sld [smem:$0x3F86];
	s0 =	simm.s32 @p1 $0x1  }
0x15: {  	[smem:$0x3FA3] =	sst s0;
	s0 =	simm.s32 @!p2 $0x0  }
0x16: {  	s3 =	sld [smem:$0x3FDB];
	s0 =	simm.s32 @p2 $0x1  }
0x17: {  	s4 =	simm.s32 $0x1BF5;
	[smem:$0x3FA5] =	sst s0  }
0x18: {  	s0 =	sld [smem:$0x3F88];
	_ =	swait.ge [sflag:s4], $0x0  }
0x19: {  	s7 =	sld [smem:$0x3F89]  }
0x1a: {  	s8 =	sadd.s32 $0xFFFFE003, lr  }
0x1b: {  	s9 =	sadd.s32 $0xFFFFFEF7, lr;
	s5 =	simm.s32 $0xFFFFFFFF;
	p2 =	slt.u32 s8, $0xFFFFF086  }
0x1c: {  	p1 =	slt.u32 s9, $0xF7A;
	s5 =	simm.s32 @!p2 $0x0  }
0x1d: {  	s5 =	simm.s32 @p1 $0x1;
	p0 =	seq.s32 s7, s2  }
0x1e: {  	s7 =	smul.u32 @!p0 $0xF7A, s2;
	p2 =	seq.s32 @!p0 s5, $0x0  }
0x1f: {  	s9 =	smul.u32 $0xF7A, s1;
	s8 =	simm.s32 @!p0 $0x1BF5;
	p2 =	por !p2, p0  }
0x20: {  	[sflag:s8] =	ssyncset.s32 @!p0 $0xFFFFF086;
	s6 =	sadd.s32 @!p0 s3, s7;
	s7 =	simm.s32 @!p0 $0x108  }
0x21: {  	s3 =	sadd.s32 s3, s9;
	s6 =	sadd.s32 @!p0 $0x88, s6;
	s7 =	simm.s32 @p2 $0x1082  }
0x22: {  	[simem:s7], [sflag:s8] =	dma.local @!p0 [hbm:s6], $0xF7A  }
0x23: {  	s9 =	sor.u32 $0xD0000000, s2;
	s6 =	simm.s32 $0x108;
	_ =	swait.ge @!p0 [sflag:s8], $0x0  }
0x24: {  	s3 =	sadd.s32 $0x88, s3;
	s6 =	simm.s32 @!p1 $0x1082;
	[sflag:s4] =	ssyncset.s32 $0xFFFFF086  }
0x25: {  	[simem:s6], [sflag:s4] =	dma.local [hbm:s3], $0xF7A  }
0x26: {  	[smem:$0x3F89] =	sst s1;
	(tag) =	ssettag s2;
	_ =	strace s9  }
0x27: {  	s1 =	sld [smem:$0x3F99]  }
0x28: {  	s2 =	sld [smem:$0x3F9A]  }
0x29: {  	s4 =	sld [smem:$0x3F9C]  }
0x2a: {  	p0 =	seq.s32 s5, $0x0;
	s5 =	sld [smem:$0x3F9D]  }
0x2b: {  	s6 =	sld [smem:$0x3F9E]  }
0x2c: {  	s7 =	sld [smem:$0x3F9F]  }
0x2d: {  	s3 =	simm.s32 $0x108;
	s8 =	sld [smem:$0x3FA0]  }
0x2e: {  	s3 =	simm.s32 @!p0 $0x1082;
	s9 =	sld [smem:$0x3FA1]  }
0x2f: {  	lr =	sadd.s32 s0, s3;
	s0 =	sld [smem:$0x3F98]  }
0x30: {  	s3 =	sld [smem:$0x3F9B]  }
0x31: {  	[smem:$0x3FA4] =	sst s10  }
0x32: {  	s10 =	sld [smem:$0x3FA2];
	_ =	sdelay $0x3  }
0x33: {  	p0 =	seq.s32 s10, $0x1;
	s10 =	sld [smem:$0x3FA4];
	_ =	sdelay $0x3  }
0x34: {  	[smem:$0x3FA4] =	sst s10  }
0x35: {  	s10 =	sld [smem:$0x3FA3];
	_ =	sdelay $0x3  }
0x36: {  	p1 =	seq.s32 s10, $0x1;
	s10 =	sld [smem:$0x3FA4];
	_ =	sdelay $0x3  }
0x37: {  	[smem:$0x3FA4] =	sst s10  }
0x38: {  	s10 =	sld [smem:$0x3FA5]  }
0x39: {  	_ = 	snop;
	(pc) =	sbr.ind lr, $3  }
0x3a: {  	_ = 	snop  }
0x3b: {  	_ = 	snop  }
0x3c: {  	p2 =	seq.s32 s10, $0x1;
	s10 =	sld [smem:$0x3FA4]  }
0x3d: {  	_ =	shalt  }
0x3e: {  	_ =	shalt  }
0x3f: {  	_ =	shalt  }
0x40: {  	_ =	shalt  }
0x41: {  	_ =	shalt  }
0x42: {  	_ =	shalt  }
0x43: {  	_ =	shalt  }
0x44: {  	_ =	shalt  }
0x45: {  	_ =	shalt  }
0x46: {  	_ =	shalt  }
0x47: {  	_ =	shalt  }
0x48: {  	_ =	shalt  }
0x49: {  	_ =	shalt  }
0x4a: {  	_ =	shalt  }
0x4b: {  	_ =	shalt  }
0x4c: {  	_ =	shalt  }
0x4d: {  	_ =	shalt  }
0x4e: {  	_ =	shalt  }
0x4f: {  	_ =	shalt  }
0x50: {  	_ =	shalt  }
0x51: {  	_ =	shalt  }
0x52: {  	_ =	shalt  }
0x53: {  	_ =	shalt  }
0x54: {  	_ =	shalt  }
0x55: {  	_ =	shalt  }
0x56: {  	_ =	shalt  }
0x57: {  	_ =	shalt  }
0x58: {  	_ =	shalt  }
0x59: {  	_ =	shalt  }
0x5a: {  	_ =	shalt  }
0x5b: {  	_ =	shalt  }
0x5c: {  	_ =	shalt  }
0x5d: {  	_ =	shalt  }
0x5e: {  	_ =	shalt  }
0x5f: {  	_ =	shalt  }
0x60: {  	_ =	shalt  }
0x61: {  	_ =	shalt  }
0x62: {  	_ =	shalt  }
0x63: {  	_ =	shalt  }
0x64: {  	_ =	shalt  }
0x65: {  	_ =	shalt  }
0x66: {  	_ =	shalt  }
0x67: {  	_ =	shalt  }
0x68: {  	_ =	shalt  }
0x69: {  	_ =	shalt  }
0x6a: {  	_ =	shalt  }
0x6b: {  	_ =	shalt  }
0x6c: {  	_ =	shalt  }
0x6d: {  	_ =	shalt  }
0x6e: {  	_ =	shalt  }
0x6f: {  	_ =	shalt  }
0x70: {  	_ =	shalt  }
0x71: {  	_ =	shalt  }
0x72: {  	_ =	shalt  }
0x73: {  	_ =	shalt  }
0x74: {  	_ =	shalt  }
0x75: {  	_ =	shalt  }
0x76: {  	_ =	shalt  }
0x77: {  	_ =	shalt  }
0x78: {  	_ =	shalt  }
0x79: {  	_ =	shalt  }
0x7a: {  	_ =	shalt  }
0x7b: {  	_ =	shalt  }
0x7c: {  	_ =	shalt  }
0x7d: {  	_ =	shalt  }
0x7e: {  	_ =	shalt  }
0x7f: {  	_ =	shalt  }
0x80: {  	_ =	shalt  }
0x81: {  	_ =	shalt  }
0x82: {  	_ =	shalt  }
0x83: {  	_ =	shalt  }
0x84: {  	_ =	shalt  }
0x85: {  	_ =	shalt  }
0x86: {  	_ =	shalt  }
0x87: {  	_ =	shalt  }
.Lfunc_end0:
.L_simem_size_0:
called_computation.1_lowered:
.L_overlay_start_0:
0x88: {  	s2 =	sld [smem:$0x3FD9]  }
0x89: {  	s3 =	sld [smem:$0x3FFE];
	_ =	sdelay $0x1  }
0x8a: {  	s1 =	srdreg.scid  }
0x8b: {  	s0 =	sand.u32 $0x1, s1  }
0x8c: {  	s17 =	sshll.u32 s0, $0xA;
	s2 =	sadd.s32 s3, s2  }
0x8d: {  	s2 =	sadd.s32 s2, s17  }
0x8e: {  	[smem:$0x3FB0] =	sst s2  }
0x8f: {  	_ = 	snop  }
0x90: {  	s18 =	sld [smem:$0x3FD0];
	(tm) =	ssettm $0x1  }
0x91: {  	s19 =	sld [smem:$0x3FFB];
	_ =	sdelay $0x3  }
0x92: {  	_ =	strace s19  }
0x93: {  	s2 =	sld [smem:$0x3FFC];
	_ =	sdelay $0x3  }
0x94: {  	_ =	strace s2  }
0x95: {  	s2 =	sld [smem:$0x3FFD];
	_ =	sdelay $0x3  }
0x96: {  	_ =	strace s2  }
0x97: {  	_ =	strace $0x8FFFFFFF  }
0x98: {  	s20 =	sld [smem:$0x3FDB];
	_ =	sdelay $0x1  }
0x99: {  	s4 =	simm.s32 $_scs_section_size  }
0x9a: {  	s5 =	simm.s32 $_size__tile_overlayer_lowered;
	s6 =	simm.s32 $_tile_overlayer_lowered  }
0x9b: {  	s7 =	simm.s32 $0x1BFF;
	s21 =	sshll.u32 s6, $0x1;
	s4 =	sadd.s32 s4, s20  }
0x9c: {  	s22 =	simm.s32 $0x0;
	s5 =	sshll.u32 s5, $0x1;
	s6 =	sadd.s32 s21, s4  }
0x9d: {  	[timem:s22], [sflag:s7] =	dma.local [hbm:s6], s5  }
0x9e: {  	_ =	swait.ge [sflag:s7], s5  }
0x9f: {  	s5 =	ssub.s32 $0x0, s5;
	[sflag:s7] =	ssyncset.done $0x0  }
0xa0: {  	[sflag:s7] =	ssyncadd.s32 s5;
	_ =	sdelay $0x1  }
0xa1: {  	s23 =	simm.s32 $0x1B8B  }
0xa2: {  	_ =	swait.ge [sflag:s23], $0x1  }
0xa3: {  	[sflag:s23] =	ssyncset.done $0x0  }
0xa4: {  	[sflag:s23] =	ssyncadd.s32 $0xFFFFFFFF  }
0xa5: {  	s5 =	sld [smem:$0x0]  }
0xa6: {  	s6 =	sand.u32 $0xFFFFFFFE, s1  }
0xa7: {  	p0 =	sne.s32 s1, s6  }
0xa8: {  	s6 =	sshll.u32 @p0 s6, $0xE  }
0xa9: {  	s6 =	sadd.s32 @p0 $0x11B8D, s6;
	s7 =	sshll.u32 @p0 s5, $0x11  }
0xaa: {  	s6 =	sor.u32 @p0 s7, s6  }
0xab: {  	[sflag:s6] =	ssyncadd.remote.s32 @p0 $0x1;
	_ =	sdelay $0x1  }
0xac: {  	s6 =	simm.s32 @p0 $0x1B8D  }
0xad: {  	_ =	swait.eq @p0 [sflag:s6], $0x1  }
0xae: {  	[sflag:s6] =	ssyncadd.s32 @p0 $0xFFFFFFFF  }
0xaf: {  	s7 =	sshll.u32 @!p0 s1, $0xE  }
0xb0: {  	s7 =	sor.u32 @!p0 $0x4000, s7;
	s6 =	simm.s32 @!p0 $0x1B8D  }
0xb1: {  	s5 =	sshll.u32 @!p0 s5, $0x11;
	s7 =	sadd.s32 @!p0 $0x11B8D, s7;
	_ =	swait.eq @!p0 [sflag:s6], $0x1  }
0xb2: {  	s5 =	sor.u32 @!p0 s5, s7;
	[sflag:s6] =	ssyncadd.s32 @!p0 $0xFFFFFFFF  }
0xb3: {  	s25 =	simm.s32 $0x1B8E;
	s24 =	sld [smem:$0x3FFE];
	[sflag:s5] =	ssyncadd.remote.s32 @!p0 $0x1  }
0xb4: {  	s26 =	simm.s32 $execute0_lowered;
	[smem:$0x3FD2] =	sst s25  }
0xb5: {  	s6 =	sshll.u32 s26, $0x1;
	_ =	strace $0x80000049;
	[dreg:$0x1] =	wrdreg $0xFFFFFFFF  }
0xb6: {  	s28 =	simm.s32 $_size_execute0_lowered;
	s4 =	sadd.s32 s4, s6;
	[dreg:$0x0] =	wrdreg $0x0  }
0xb7: {  	s6 =	sshll.u32 s28, $0x1;
	[dreg:$0x2] =	wrdreg s4  }
0xb8: {  	[dreg:$0x3] =	wrdreg s6  }
0xb9: {  	[dreg:$0x4] =	wrdreg $0xC0  }
0xba: {  	_ =	task [dreg:s22], $0x5FFFF  }
0xbb: {  	[dreg:$0x1] =	wrdreg $0xFFFFFFFF  }
0xbc: {  	[dreg:$0x0] =	wrdreg $0x60  }
0xbd: {  	[dreg:$0x2] =	wrdreg s18  }
0xbe: {  	[dreg:$0x3] =	wrdreg s24  }
0xbf: {  	[dreg:$0x4] =	wrdreg $0xA  }
0xc0: {  	_ =	task.clear_ibuf [dreg:s22], $0x5FFFF;
	_ =	strace $0x90000049  }
0xc1: {  	s29 =	simm.s32 $0xA;
	_ =	strace $0x8000004B  }
0xc2: {  	_ =	swait.ge [sflag:s29], $0x1  }
0xc3: {  	[sflag:s29] =	ssyncadd.s32 $0xFFFFFFFF  }
0xc4: {  	_ =	strace $0x9000004B  }
0xc5: {  	_ =	sfence  }
0xc6: {  	s30 =	sld [smem:$0x0];
	_ =	sdelay $0x2  }
0xc7: {  	s31 =	sshll.u32 s1, $0xD;
	s1 =	sshrl.u32 s1, $0x2  }
0xc8: {  	s4 =	sand.u32 $0x4000, s31;
	s1 =	sadd.s32 s1, s30  }
0xc9: {  	s0 =	sor.u32 s4, s0;
	s1 =	sshll.u32 s1, $0x11  }
0xca: {  	s0 =	sor.u32 s1, s0  }
0xcb: {  	s0 =	sadd.s32 $0x8F2B, s0  }
0xcc: {  	[sflag:s0] =	ssyncadd.remote.s32 $0x1  }
0xcd: {  	_ =	sfence.sel $0xFFFF  }
0xce: {  	[dreg:$0x0] =	wrdreg $0xFFFFFFFF;
	(pc) =	sbr.abs _section_cstart, $3  }
0xcf: {  	[dreg:$0x1] =	wrdreg $0xFFFFFFFF  }
0xd0: {  	_ =	task.clear_ibuf [dreg:s22], $0x2FFFF;
	_ =	strace $0x9FFFFFFF  }
0xd1: {  	(tm) =	ssettm $0x7FFFFFFF  }
tec
execute0_lowered:
.L_overlay_start_1:
0x0: {  	(tag) =	ssettag $0x1  }
0x1: {  	s1 =	srdreg.scid;
	s2 =	rddreg [dreg:$0x0]  }
0x2: {  	s0 =	stileid.u32;
	s4 =	rddreg [dreg:$0x1]  }
0x3: {  	s3 =	simm.s32 $0x0;
	s14 =	simm.s32 $0x3580;
	s15 =	simm.s32 $0x50  }
0x4: {  	s16 =	simm.s32 $0x4980;
	s17 =	simm.s32 $0x1;
	s18 =	simm.s32 $0x78  }
0x5: {  	s19 =	simm.s32 $0x5D80;
	s20 =	simm.s32 $0x2;
	s21 =	simm.s32 $0x5  }
0x6: {  	s22 =	simm.s32 $0x3;
	s23 =	simm.s32 $0x6;
	s24 =	simm.s32 $0x4  }
0x7: {  	s25 =	simm.s32 $0x7;
	s28 =	simm.s32 $0x0;
	s6 =	sand.u32 $0x1, s1  }
0x8: {  	s26 =	sshll.u32 s0, $0x1;
	[smem:$0x7FF] =	sst s3;
	s12 =	smul.u32 $0x42400, s0  }
0x9: {  	s9 =	sadd.s32 $0x48F200, s4;
	s5 =	sor.u32 s6, s26;
	s13 =	smul.u32 $0x21200, s6  }
0xa: {  	_ =	strace $0x8000004A;
	s29 =	ssub.s32 $0x2, s6;
	s7 =	smul.u32 $0x2120, s5  }
0xb: {  	s26 =	simm.s32 $0x8;
	s8 =	smul.u32 $0x109000, s5;
	s10 =	sshrl.u32 s29, $0x1  }
0xc: {  	s11 =	smul.u32 $0x21200, s5;
	s30 =	sadd.s32 s12, s9;
	s12 =	simm.s32 $0x28  }
0xd: {  	s10 =	ssub.s32 s29, s10;
	s7 =	sshrl.u32 s7, $0x3;
	s8 =	sshrl.u32 s8, $0x3  }
0xe: {  	s31 =	sadd.s32 s13, s30;
	s7 =	sadd.s32 s7, s4;
	s8 =	sadd.s32 s9, s8  }
0xf: {  	s13 =	simm.s32 $0x2180;
	s4 =	sadd.s32 $0x4200, s7;
	s5 =	sadd.s32 $0x20D00, s8  }
0x10: {  	s6 =	sadd.s32 $0x20F80, s8;
	s7 =	sadd.s32 s9, s11;
	s8 =	smax.u32 s10, $0x1  }
0x11: {  	s10 =	sadd.s32 $0x780, s31;
	s11 =	simm.s32 $0x9;
	s9 =	sadd.s32 $0x280, s7  }
.LBB2_1:
0x12: {  	[tilespmem:s3], [sflag:$0x9] =	stream.linear.gather [hbm4b:s4+s3], $0x2120, $0x38;
	[tilespmem:$0x7180] =	vst v63  }
0x13: {  	_ =	swait.ge [sflag:s11], $0x2120  }
0x14: {  	[sflag:s11] =	ssyncset.done $0x0  }
0x15: {  	[sflag:s11] =	ssyncadd.s32 $0xFFFFDEE0  }
0x16: {  	[tilespmem:s13], [sflag:$0x1] =	stream.indirect.gather [hbm4b:s2+s12], $0x80, s3, s12, $0xb8;
	[tilespmem:$0x7180] =	vst v63  }
0x17: {  	_ = 	snop  }
0x18: {  	[tilespmem:s14], [sflag:$0x2] =	stream.indirect.gather [hbm4b:s2+s12], $0x80, s12, s12, $0xb8;
	[tilespmem:$0x7180] =	vst v63  }
0x19: {  	_ = 	snop  }
0x1a: {  	[tilespmem:s16], [sflag:$0x3] =	stream.indirect.gather [hbm4b:s2+s12], $0x80, s15, s12, $0xb8;
	[tilespmem:$0x7180] =	vst v63  }
0x1b: {  	_ =	swait.ge [sflag:s17], $0x1400  }
0x1c: {  	[sflag:s17] =	ssyncset.done $0x0  }
0x1d: {  	[sflag:s17] =	ssyncadd.s32 $0xFFFFEC00  }
0x1e: {  	[hbm4b:s7+s3] =	stream.linear.scatter [tilespmem:s13], [sflag:$0x5], $0x1400, $0x38;
	[tilespmem:$0x7180] =	vst v63  }
0x1f: {  	_ = 	snop  }
0x20: {  	[tilespmem:s19], [sflag:$0x4] =	stream.indirect.gather [hbm4b:s2+s12], $0x80, s18, s12, $0xb8;
	[tilespmem:$0x7180] =	vst v63  }
0x21: {  	_ =	swait.ge [sflag:s20], $0x1400  }
0x22: {  	[sflag:s20] =	ssyncset.done $0x0  }
0x23: {  	[sflag:s20] =	ssyncadd.s32 $0xFFFFEC00  }
0x24: {  	[hbm4b:s9+s3] =	stream.linear.scatter [tilespmem:s14], [sflag:$0x6], $0x1400, $0x38;
	[tilespmem:$0x7180] =	vst v63  }
0x25: {  	_ =	swait.ge [sflag:s21], $0x1400  }
0x26: {  	[sflag:s21] =	ssyncset.done $0x0  }
0x27: {  	s29 =	simm.s32 $0xA0;
	[sflag:s21] =	ssyncadd.s32 $0xFFFFEC00  }
0x28: {  	[tilespmem:s13], [sflag:$0x1] =	stream.indirect.gather [hbm4b:s2+s12], $0x80, s29, s12, $0xb8;
	[tilespmem:$0x7180] =	vst v63  }
0x29: {  	_ =	swait.ge [sflag:s22], $0x1400  }
0x2a: {  	[sflag:s22] =	ssyncset.done $0x0  }
0x2b: {  	s29 =	sadd.s32 $0xFFFFFD80, s10;
	[sflag:s22] =	ssyncadd.s32 $0xFFFFEC00  }
0x2c: {  	[hbm4b:s29+s3] =	stream.linear.scatter [tilespmem:s16], [sflag:$0x7], $0x1400, $0x38;
	[tilespmem:$0x7180] =	vst v63  }
0x2d: {  	_ =	swait.ge [sflag:s23], $0x1400  }
0x2e: {  	[sflag:s23] =	ssyncset.done $0x0  }
0x2f: {  	s29 =	simm.s32 $0xC8;
	[sflag:s23] =	ssyncadd.s32 $0xFFFFEC00  }
0x30: {  	[tilespmem:s14], [sflag:$0x2] =	stream.indirect.gather [hbm4b:s2+s12], $0x80, s29, s12, $0xb8;
	[tilespmem:$0x7180] =	vst v63  }
0x31: {  	_ =	swait.ge [sflag:s24], $0x1400  }
0x32: {  	[sflag:s24] =	ssyncset.done $0x0  }
0x33: {  	[sflag:s24] =	ssyncadd.s32 $0xFFFFEC00  }
0x34: {  	[hbm4b:s10+s3] =	stream.linear.scatter [tilespmem:s19], [sflag:$0x8], $0x1400, $0x38;
	[tilespmem:$0x7180] =	vst v63  }
0x35: {  	_ =	swait.ge [sflag:s25], $0x1400  }
0x36: {  	[sflag:s25] =	ssyncset.done $0x0  }
0x37: {  	s29 =	simm.s32 $0xF0;
	[sflag:s25] =	ssyncadd.s32 $0xFFFFEC00  }
0x38: {  	[tilespmem:s16], [sflag:$0x3] =	stream.indirect.gather [hbm4b:s2+s12], $0x80, s29, s12, $0xb8;
	[tilespmem:$0x7180] =	vst v63  }
0x39: {  	_ =	swait.ge [sflag:s17], $0x1400  }
0x3a: {  	[sflag:s17] =	ssyncset.done $0x0  }
0x3b: {  	s29 =	sadd.s32 $0x280, s10;
	[sflag:s17] =	ssyncadd.s32 $0xFFFFEC00  }
0x3c: {  	[hbm4b:s29+s3] =	stream.linear.scatter [tilespmem:s13], [sflag:$0x5], $0x1400, $0x38;
	[tilespmem:$0x7180] =	vst v63  }
0x3d: {  	_ =	swait.ge [sflag:s26], $0x1400  }
0x3e: {  	[sflag:s26] =	ssyncset.done $0x0  }
0x3f: {  	s29 =	simm.s32 $0x118;
	[sflag:s26] =	ssyncadd.s32 $0xFFFFEC00  }
0x40: {  	[tilespmem:s19], [sflag:$0x4] =	stream.indirect.gather [hbm4b:s2+s12], $0x80, s29, s12, $0xb8;
	[tilespmem:$0x7180] =	vst v63  }
0x41: {  	_ =	swait.ge [sflag:s20], $0x1400  }
0x42: {  	s31 =	sadd.s32 $0x500, s10;
	[sflag:s20] =	ssyncset.done $0x0  }
0x43: {  	s30 =	sadd.s32 $0xA00, s10;
	s29 =	simm.s32 $0x280;
	[sflag:s20] =	ssyncadd.s32 $0xFFFFEC00  }
.LBB2_2:
0x44: {  	[hbm4b:s31+s3] =	stream.linear.scatter [tilespmem:s14], [sflag:$0x6], $0x1400, $0x38;
	[tilespmem:$0x7180] =	vst v63  }
0x45: {  	s31 =	smov.u32 s29  }
0x46: {  	p0 =	sne.s32 s29, $0x7F80;
	s29 =	sadd.s32 $0x280, s29;
	_ =	swait.ge [sflag:s21], $0x1400  }
0x47: {  	s31 =	sshra.s32 s31, $0x2;
	[sflag:s21] =	ssyncset.done $0x0  }
0x48: {  	s1 =	sadd.s32 $0xA0, s31;
	[sflag:s21] =	ssyncadd.s32 $0xFFFFEC00  }
0x49: {  	[tilespmem:s13], [sflag:$0x1] =	stream.indirect.gather [hbm4b:s2+s12], $0x80, s1, s12, $0xb8;
	[tilespmem:$0x7180] =	vst v63  }
0x4a: {  	_ =	swait.ge [sflag:s22], $0x1400  }
0x4b: {  	[sflag:s22] =	ssyncset.done $0x0  }
0x4c: {  	s1 =	sadd.s32 $0xFFFFFD80, s30;
	[sflag:s22] =	ssyncadd.s32 $0xFFFFEC00  }
0x4d: {  	[hbm4b:s1+s3] =	stream.linear.scatter [tilespmem:s16], [sflag:$0x7], $0x1400, $0x38;
	[tilespmem:$0x7180] =	vst v63  }
0x4e: {  	_ =	swait.ge [sflag:s23], $0x1400  }
0x4f: {  	[sflag:s23] =	ssyncset.done $0x0  }
0x50: {  	s1 =	sadd.s32 $0xC8, s31;
	[sflag:s23] =	ssyncadd.s32 $0xFFFFEC00  }
0x51: {  	[tilespmem:s14], [sflag:$0x2] =	stream.indirect.gather [hbm4b:s2+s12], $0x80, s1, s12, $0xb8;
	[tilespmem:$0x7180] =	vst v63  }
0x52: {  	_ =	swait.ge [sflag:s24], $0x1400  }
0x53: {  	[sflag:s24] =	ssyncset.done $0x0  }
0x54: {  	[sflag:s24] =	ssyncadd.s32 $0xFFFFEC00  }
0x55: {  	[hbm4b:s30+s3] =	stream.linear.scatter [tilespmem:s19], [sflag:$0x8], $0x1400, $0x38;
	[tilespmem:$0x7180] =	vst v63  }
0x56: {  	_ =	swait.ge [sflag:s25], $0x1400  }
0x57: {  	[sflag:s25] =	ssyncset.done $0x0  }
0x58: {  	s1 =	sadd.s32 $0xF0, s31;
	[sflag:s25] =	ssyncadd.s32 $0xFFFFEC00  }
0x59: {  	[tilespmem:s16], [sflag:$0x3] =	stream.indirect.gather [hbm4b:s2+s12], $0x80, s1, s12, $0xb8;
	[tilespmem:$0x7180] =	vst v63  }
0x5a: {  	_ =	swait.ge [sflag:s17], $0x1400  }
0x5b: {  	[sflag:s17] =	ssyncset.done $0x0  }
0x5c: {  	s1 =	sadd.s32 $0x280, s30;
	[sflag:s17] =	ssyncadd.s32 $0xFFFFEC00  }
0x5d: {  	[hbm4b:s1+s3] =	stream.linear.scatter [tilespmem:s13], [sflag:$0x5], $0x1400, $0x38;
	[tilespmem:$0x7180] =	vst v63  }
0x5e: {  	_ =	swait.ge [sflag:s26], $0x1400  }
0x5f: {  	[sflag:s26] =	ssyncset.done $0x0  }
.Ltmp0:
0x60: {  	s1 =	sadd.s32 $0x118, s31;
	[sflag:s26] =	ssyncadd.s32 $0xFFFFEC00;
	(pc) =	sbr.rel @p0 .LBB2_2-.Ltmp0, $4  }
0x61: {  	[tilespmem:s19], [sflag:$0x4] =	stream.indirect.gather [hbm4b:s2+s12], $0x80, s1, s12, $0xb8;
	[tilespmem:$0x7180] =	vst v63  }
0x62: {  	_ =	swait.ge [sflag:s20], $0x1400  }
0x63: {  	[sflag:s20] =	ssyncset.done $0x0  }
0x64: {  	s31 =	sadd.s32 $0x500, s30;
	s30 =	sadd.s32 $0xA00, s30;
	[sflag:s20] =	ssyncadd.s32 $0xFFFFEC00  }
0x65: {  	[hbm4b:s31+s3] =	stream.linear.scatter [tilespmem:s14], [sflag:$0x6], $0x1400, $0x38;
	[tilespmem:$0x7180] =	vst v63  }
0x66: {  	_ =	swait.ge [sflag:s22], $0x1400  }
0x67: {  	[sflag:s22] =	ssyncset.done $0x0  }
0x68: {  	[sflag:s22] =	ssyncadd.s32 $0xFFFFEC00  }
0x69: {  	[hbm4b:s5+s3] =	stream.linear.scatter [tilespmem:s16], [sflag:$0x7], $0x1400, $0x38;
	[tilespmem:$0x7180] =	vst v63  }
0x6a: {  	_ =	swait.ge [sflag:s24], $0x1400  }
0x6b: {  	[sflag:s24] =	ssyncset.done $0x0  }
0x6c: {  	[sflag:s24] =	ssyncadd.s32 $0xFFFFEC00  }
0x6d: {  	[hbm4b:s6+s3] =	stream.linear.scatter [tilespmem:s19], [sflag:$0x8], $0x1400, $0x38;
	[tilespmem:$0x7180] =	vst v63  }
0x6e: {  	_ =	swait.ge [sflag:s21], $0x1400  }
0x6f: {  	[sflag:s21] =	ssyncset.done $0x0  }
0x70: {  	[sflag:s21] =	ssyncadd.s32 $0xFFFFEC00  }
0x71: {  	_ =	swait.ge [sflag:s23], $0x1400  }
0x72: {  	[sflag:s23] =	ssyncset.done $0x0  }
0x73: {  	s28 =	sadd.s32 $0x1, s28;
	[sflag:s23] =	ssyncadd.s32 $0xFFFFEC00  }
0x74: {  	p0 =	sne.s32 s28, s8;
	_ =	swait.ge [sflag:s25], $0x1400  }
.Ltmp1:
0x75: {  	[sflag:s25] =	ssyncset.done $0x0;
	(pc) =	sbr.rel @p0 .LBB2_1-.Ltmp1, $4  }
0x76: {  	[sflag:s25] =	ssyncadd.s32 $0xFFFFEC00  }
0x77: {  	_ =	swait.ge [sflag:s26], $0x1400  }
0x78: {  	[sflag:s26] =	ssyncset.done $0x0  }
0x79: {  	[sflag:s26] =	ssyncadd.s32 $0xFFFFEC00  }
0x7a: {  	_ =	sfence.sel $0x180000  }
0x7b: {  	[bflag:$0x0] =	sbarrier.arrive $0xFFFF  }
0x7c: {  	_ =	strace $0x9000004A  }
0x7d: {  	[bflag:$0x2] =	sbarrier.arrive $0xFFFF  }
0x7e: {  	p0 =	sne.s32 s0, $0x0;
	s0 =	rddreg [dreg:$0x2]  }
0x7f: {  	s0 =	sadd.s32 @!p0 $0x100000, s0  }
0x80: {  	[sflag:s0] =	ssyncadd.tile.s32 @!p0 $0x1;
	_ =	shalt  }
.Lfunc_end2:
_tile_overlayer_lowered:
.L_overlay_start_2:
0x81: {  	(tag) =	ssettag $0x2  }
0x82: {  	s0 =	rddreg [dreg:$0x0];
	s2 =	stileid.u32  }
0x83: {  	s1 =	rddreg [dreg:$0x1];
	p0 =	sne.s32 s2, $0x0  }
0x84: {  	s3 =	rddreg [dreg:$0x2];
	[bflag:$0x3] =	sbarrier.arrive $0xFFFF;
	s2 =	simm.s32 @!p0 $0x1C09  }
0x85: {  	[timem:s3], [sflag:s2] =	dma.local @!p0 [hbm:s0], s1  }
0x86: {  	s0 =	simm.s32 @!p0 $0x9  }
0x87: {  	_ =	swait.ge @!p0 [sflag:s0], s1  }
0x88: {  	s1 =	ssub.s32 @!p0 $0x0, s1;
	[sflag:s0] =	ssyncset.done @!p0 $0x0  }
0x89: {  	[sflag:s0] =	ssyncadd.s32 @!p0 s1  }
0x8a: {  	[bflag:$0x3] =	sbarrier.arrive $0xFFFF  }
0x8b: {  	_ =	shalt  }

</sc_bundles>
